<compile_context>
chip_gen: v7x
topology: tpu7x:2x2x1
jax: 0.10.2.dev20260603
libtpu: 0.0.44.dev20260713+nightly
codegen_flags: <defaults>
</compile_context>

<pallas_src>
import functools

import jax
import jax.numpy as jnp
from jax import lax
from jax.experimental import pallas as pl
from jax.experimental.pallas import tpu as pltpu
from jax.experimental.pallas import tpu_sc as plsc

N = 10000
E = 320000
F = 128
FCLS = 40

NSC = 2
NSUB = 16
NW = NSC * NSUB
NPAD = 10240
RPS = NPAD // NSUB
EPW = E // NW

_sc_mesh = plsc.VectorSubcoreMesh(
    core_axis_name="c", subcore_axis_name="s", num_cores=NSC, num_subcores=NSUB
)


EPW2 = E // NSUB


@functools.partial(
    pl.kernel,
    out_type=jax.ShapeDtypeStruct((NPAD,), jnp.float32),
    mesh=_sc_mesh,
    scratch_types=[
        pltpu.VMEM((EPW2,), jnp.int32),
        pltpu.VMEM((EPW2,), jnp.float32),
        pltpu.VMEM((RPS,), jnp.float32),
        pltpu.VMEM_SHARED((NPAD,), jnp.float32),
        pltpu.SemaphoreType.DMA,
        pltpu.SemaphoreType.DMA,
    ],
)
def _sc_degree(adj_hbm, ones_hbm, out_hbm, idx_v, ones_v, zb, deg_sh, s1, s2):
    cc = lax.axis_index("c")
    sid = lax.axis_index("s")
    r0 = sid * RPS
    base = sid * EPW2
    pltpu.async_copy(adj_hbm.at[pl.ds(E + base, EPW2)], idx_v, s1)
    pltpu.async_copy(ones_hbm, ones_v, s2)

    @pl.loop(0, RPS, step=16)
    def _(i):
        zb[pl.ds(i, 16)] = jnp.zeros((16,), jnp.float32)

    pltpu.sync_copy(zb, deg_sh.at[pl.ds(r0, RPS)])
    pltpu.make_async_copy(adj_hbm.at[pl.ds(E + base, EPW2)], idx_v, s1).wait()
    pltpu.make_async_copy(ones_hbm, ones_v, s2).wait()
    plsc.subcore_barrier()

    pltpu.sync_copy(ones_v, deg_sh.at[idx_v], add=True)

    plsc.subcore_barrier()

    @pl.when(cc == 0)
    def _():
        pltpu.sync_copy(deg_sh.at[pl.ds(r0, RPS)], out_hbm.at[pl.ds(r0, RPS)])


KC = 80
NCHUNK = EPW // KC
NSLOT = 3


@functools.partial(
    pl.kernel,
    out_type=jax.ShapeDtypeStruct((NSC, NPAD, F), jnp.float32),
    mesh=_sc_mesh,
    scratch_types=[
        pltpu.VMEM((EPW,), jnp.int32),
        pltpu.VMEM((NSLOT, 1, KC), jnp.int32),
        pltpu.VMEM((NSLOT, KC, F), jnp.float32),
        pltpu.VMEM_SHARED((NPAD, F), jnp.float32),
        pltpu.SemaphoreType.DMA((NSLOT,)),
        pltpu.SemaphoreType.DMA((NSLOT,)),
        pltpu.SemaphoreType.DMA((NSLOT,)),
        pltpu.SemaphoreType.DMA,
    ],
)
def _sc_aggregate(g_hbm, adj_hbm, out_hbm,
                  srcall, didx, rows_v, acc_sh, sem_i, sem_g, sem_s, sem_m):
    cc = lax.axis_index("c")
    sid = lax.axis_index("s")
    r0 = sid * RPS
    base = (cc * NSUB + sid) * EPW

    pltpu.async_copy(adj_hbm.at[pl.ds(base, EPW)], srcall, sem_m)

    @pl.loop(0, KC, step=1)
    def _(i):
        for c in range(0, F, 16):
            rows_v[0, i, pl.ds(c, 16)] = jnp.zeros((16,), jnp.float32)

    @pl.loop(0, RPS, step=KC)
    def _(i):
        pltpu.sync_copy(rows_v.at[0], acc_sh.at[pl.ds(r0 + i, KC)])

    pltpu.make_async_copy(adj_hbm.at[pl.ds(base, EPW)], srcall, sem_m).wait()
    plsc.subcore_barrier()

    def issue_front(jj, slot):
        pltpu.async_copy(adj_hbm.at[pl.ds(E + base + jj * KC, KC)],
                         didx.at[slot, 0], sem_i.at[slot])
        pltpu.async_copy(g_hbm.at[srcall.at[pl.ds(jj * KC, KC)]],
                         rows_v.at[slot], sem_g.at[slot])

    def wait_front(slot):
        pltpu.make_async_copy(adj_hbm.at[pl.ds(0, KC)], didx.at[slot, 0],
                              sem_i.at[slot]).wait()
        pltpu.make_async_copy(g_hbm.at[pl.ds(0, KC)], rows_v.at[slot],
                              sem_g.at[slot]).wait()

    def issue_scatter(slot):
        pltpu.async_copy(rows_v.at[slot], acc_sh.at[didx.at[slot, 0]],
                         sem_s.at[slot], add=True)

    def wait_scatter(slot):
        pltpu.make_async_copy(g_hbm.at[pl.ds(0, KC)], rows_v.at[slot],
                              sem_s.at[slot]).wait()

    issue_front(0, 0)
    issue_front(1, 1)
    wait_front(0)
    issue_scatter(0)
    issue_front(2, 2)
    wait_front(1)
    issue_scatter(1)
    wait_scatter(0)
    issue_front(3, 0)
    wait_front(2)
    issue_scatter(2)
    wait_scatter(1)
    issue_front(4, 1)

    @pl.loop(3, NCHUNK - 2, step=NSLOT)
    def _(c):
        for slot_off in range(NSLOT):
            jj = c + slot_off
            slot = (3 + slot_off) % NSLOT
            wait_front(slot)
            issue_scatter(slot)
            nslot = (slot + 2) % NSLOT
            wait_scatter(nslot)
            issue_front(jj + 2, nslot)

    wait_front(0)
    issue_scatter(0)
    wait_front(1)
    issue_scatter(1)
    wait_scatter(2)
    wait_scatter(0)
    wait_scatter(1)

    plsc.subcore_barrier()
    pltpu.sync_copy(acc_sh.at[pl.ds(r0, RPS)], out_hbm.at[cc, pl.ds(r0, RPS)])


_R = 2000


def _tc_matmul_body(x_ref, w_ref, h_ref):
    h_ref[...] = jnp.dot(x_ref[...], w_ref[...],
                         preferred_element_type=jnp.float32)


def _tc_matmul(x, W1):
    return pl.pallas_call(
        _tc_matmul_body,
        grid=(N // _R,),
        in_specs=[
            pl.BlockSpec((_R, F), lambda i: (i, 0)),
            pl.BlockSpec((F, F), lambda i: (0, 0)),
        ],
        out_specs=pl.BlockSpec((_R, F), lambda i: (i, 0)),
        out_shape=jax.ShapeDtypeStruct((N, F), jnp.float32),
    )(x, W1)


def _tc_scale_body(h_ref, c_ref, g_ref):
    g_ref[...] = h_ref[...] * lax.rsqrt(c_ref[...] + 1.0)


def _tc_scale(h, cnt):
    return pl.pallas_call(
        _tc_scale_body,
        grid=(N // _R,),
        in_specs=[
            pl.BlockSpec((_R, F), lambda i: (i, 0)),
            pl.BlockSpec((_R, 1), lambda i: (i, 0)),
        ],
        out_specs=pl.BlockSpec((_R, F), lambda i: (i, 0)),
        out_shape=jax.ShapeDtypeStruct((N, F), jnp.float32),
    )(h, cnt)


def _tc_finish_body(a0_ref, a1_ref, g_ref, c_ref, b1_ref, wc_ref,
                    bc_ref, emb_ref, lsm_ref):
    dinv = lax.rsqrt(c_ref[...] + 1.0)
    s = (a0_ref[0] + a1_ref[0] + g_ref[...]) * dinv + b1_ref[...]
    emb = jnp.maximum(s, 0.0)
    emb_ref[...] = emb
    logits = jnp.dot(emb, wc_ref[...], preferred_element_type=jnp.float32)
    logits = logits + bc_ref[...]
    col = lax.broadcasted_iota(jnp.int32, (_R, F), 1)
    valid = col < FCLS
    lm = jnp.where(valid, logits, jnp.float32(-1e30))
    m = jnp.max(lm, axis=1, keepdims=True)
    ez = jnp.where(valid, jnp.exp(lm - m), 0.0)
    lsm = lm - m - jnp.log(jnp.sum(ez, axis=1, keepdims=True))
    lsm_ref[...] = lsm[:, :FCLS]


def _tc_finish(acc, g, cnt, b1r, wcp, bcp):
    return pl.pallas_call(
        _tc_finish_body,
        grid=(N // _R,),
        in_specs=[
            pl.BlockSpec((1, _R, F), lambda i: (0, i, 0)),
            pl.BlockSpec((1, _R, F), lambda i: (1, i, 0)),
            pl.BlockSpec((_R, F), lambda i: (i, 0)),
            pl.BlockSpec((_R, 1), lambda i: (i, 0)),
            pl.BlockSpec((1, F), lambda i: (0, 0)),
            pl.BlockSpec((F, F), lambda i: (0, 0)),
            pl.BlockSpec((1, F), lambda i: (0, 0)),
        ],
        out_specs=[
            pl.BlockSpec((_R, F), lambda i: (i, 0)),
            pl.BlockSpec((_R, FCLS), lambda i: (i, 0)),
        ],
        out_shape=[
            jax.ShapeDtypeStruct((N, F), jnp.float32),
            jax.ShapeDtypeStruct((N, FCLS), jnp.float32),
        ],
    )(acc, acc, g, cnt, b1r, wcp, bcp)


def kernel(x, adj, W1, b1, Wc, bc):
    ones1d = jnp.ones((EPW2,), jnp.float32)
    adjf = adj.reshape(2 * E)

    h = _tc_matmul(x, W1)
    cnt = _sc_degree(adjf, ones1d).reshape(NPAD, 1)
    g = _tc_scale(h, cnt)

    acc = _sc_aggregate(g, adjf)

    b1r = b1.reshape(1, F)
    wcp = jnp.pad(Wc, ((0, 0), (0, F - FCLS)))
    bcp = jnp.pad(bc, (0, F - FCLS)).reshape(1, F)

    emb, lsm = _tc_finish(acc, g, cnt, b1r, wcp, bcp)
    return (emb, lsm)

# --- scband reference (transcript-rebuilt; emitter-appended) ---
"""Pipeline reference for scband-my-gcn1-27032524161265 (READ-ONLY COPY).

The authoritative reference and input builder live on the scoring server;
editing this copy changes nothing except your own understanding.
"""

import jax, jax.numpy as jnp
import numpy as np

N = 10000
E = 320000
F_IN = 128
F_HID = 128
F_CLS = 40


def setup_inputs(seed: int = 0) -> dict:
    key = jax.random.key(seed)
    k1, k2, k3, k4, k5, k6 = jax.random.split(key, 6)
    x = jax.random.normal(k1, (N, F_IN), dtype=jnp.float32)
    adj = jax.random.randint(k2, (2, E), 0, N, dtype=jnp.int32)
    # GCNConv weight (glorot) + bias
    W1 = jax.random.normal(k3, (F_IN, F_HID), dtype=jnp.float32) * (1.0 / np.sqrt(F_IN))
    b1 = jnp.zeros((F_HID,), dtype=jnp.float32)
    # classifier linear
    Wc = jax.random.normal(k4, (F_HID, F_CLS), dtype=jnp.float32) * (1.0 / np.sqrt(F_HID))
    bc = jax.random.normal(k5, (F_CLS,), dtype=jnp.float32) * 0.01
    return {"x": x, "adj": adj, "W1": W1, "b1": b1, "Wc": Wc, "bc": bc}


def _gcn_conv(x, adj, W, b):
    # PyG GCNConv: add self-loops, symmetric normalization D^-1/2 A D^-1/2, linear transform, bias
    n = x.shape[0]
    loop = jnp.arange(n, dtype=adj.dtype)
    src = jnp.concatenate([adj[0], loop])
    dst = jnp.concatenate([adj[1], loop])
    h = x @ W
    deg = jnp.zeros((n,), dtype=x.dtype).at[dst].add(1.0)
    dinv = jnp.where(deg > 0, 1.0 / jnp.sqrt(deg), 0.0)
    norm = dinv[src] * dinv[dst]
    msgs = h[src] * norm[:, None]
    out = jnp.zeros((n, W.shape[1]), dtype=x.dtype).at[dst].add(msgs)
    return out + b


def reference(x, adj, W1, b1, Wc, bc):
    h = _gcn_conv(x, adj, W1, b1)
    embedding = jax.nn.relu(h)
    out = embedding @ Wc + bc
    return (embedding, jax.nn.log_softmax(out, axis=1))

if __name__ == "__main__":
    import jax
    _d = setup_inputs()
    print(jax.jit(kernel)(*tuple(_d.values())))

</pallas_src>

<mosaic_0001>
#map = affine_map<(d0, d1) -> (0)>
module attributes {stable_mosaic.version = 14 : i64} {
  func.func @_sc_degree(%arg0: i32, %arg1: i32, %arg2: memref<640000xi32, #tpu.memory_space<hbm>>, %arg3: memref<20000xf32, #tpu.memory_space<hbm>>, %arg4: memref<10240xf32, #tpu.memory_space<hbm>>, %arg5: memref<20000xi32, #tpu.memory_space<vmem>>, %arg6: memref<20000xf32, #tpu.memory_space<vmem>>, %arg7: memref<640xf32, #tpu.memory_space<vmem>>, %arg8: memref<10240xf32, #tpu.memory_space<vmem_shared>>, %arg9: memref<!tpu.dma_semaphore, #tpu.memory_space<semaphore_mem>>, %arg10: memref<!tpu.dma_semaphore, #tpu.memory_space<semaphore_mem>>) attributes {dimension_semantics = [#tpu.dimension_semantics<core_parallel>, #tpu.dimension_semantics<subcore_parallel>], iteration_bounds = array<i64: 2, 16>, scalar_prefetch = 0 : i64, scratch_operands = 6 : i64, tpu.core_type = #tpu.core_type<sc_vector_subcore>, window_params = [{transform_indices = #map}, {transform_indices = #map}, {transform_indices = #map}]} {
    %mul3A = arith.constant 640 : i32
    %mul3A_0 = arith.muli %arg1, %mul3A : i32
    %mul3A_1 = arith.constant 20000 : i32
    %mul3A_2 = arith.muli %arg1, %mul3A_1 : i32
    %add3A = arith.constant 320000 : i32
    %add3A_3 = arith.addi %add3A, %mul3A_2 : i32
    %dma_start3A = tpu.memref_slice %arg2[%add3A_3] : memref<640000xi32, #tpu.memory_space<hbm>> -> memref<20000xi32, #tpu.memory_space<hbm>>
    %dma_start3A_4 = tpu.memref_slice %arg2[%add3A_3] : memref<640000xi32, #tpu.memory_space<hbm>> -> memref<20000xi32, #tpu.memory_space<hbm>>
    tpu.enqueue_dma source(%dma_start3A_4 : memref<20000xi32, #tpu.memory_space<hbm>>) target(%arg5 : memref<20000xi32, #tpu.memory_space<vmem>>) target_semaphore(%arg9 : memref<!tpu.dma_semaphore, #tpu.memory_space<semaphore_mem>>)
    tpu.enqueue_dma source(%arg3 : memref<20000xf32, #tpu.memory_space<hbm>>) target(%arg6 : memref<20000xf32, #tpu.memory_space<vmem>>) target_semaphore(%arg10 : memref<!tpu.dma_semaphore, #tpu.memory_space<semaphore_mem>>)
    %scan3A = arith.constant 0 : i32
    %scan3A_5 = arith.constant 40 : i32
    %scan3A_6 = arith.addi %scan3A, %scan3A_5 : i32
    %scan3A_7 = arith.constant 1 : i32
    scf.for %scan3A_15 = %scan3A to %scan3A_6 step %scan3A_7  : i32 {
      %mul3A_16 = arith.constant 16 : i32
      %mul3A_17 = arith.muli %scan3A_15, %mul3A_16 : i32
      %add3A_18 = arith.constant 0 : i32
      %add3A_19 = arith.addi %add3A_18, %mul3A_17 : i32
      %broadcast_in_dim3A = arith.constant 0.000000e+00 : f32
      %broadcast_in_dim3A_20 = vector.broadcast %broadcast_in_dim3A : f32 to vector<16xf32>
      %swap3A = arith.index_cast %add3A_19 : i32 to index
      %swap3A_21 = tpu.vector_load %arg7[%swap3A] {strides = array<i32>} : memref<640xf32, #tpu.memory_space<vmem>>, vector<16xf32>,
      %swap3A_22 = vector.shape_cast %swap3A_21 : vector<16xf32> to vector<16xf32>
      %swap3A_23 = vector.shape_cast %broadcast_in_dim3A_20 : vector<16xf32> to vector<16xf32>
      tpu.vector_store %arg7[%swap3A], %swap3A_23 {strides = array<i32>} : memref<640xf32, #tpu.memory_space<vmem>>, vector<16xf32>,
    }
    %scan3A_8 = arith.constant 40 : i32
    "tpu.region"() ({
      %run_scoped3A = tpu.sem_alloc : memref<!tpu.dma_semaphore, #tpu.memory_space<semaphore_mem>>
      %dma_start3A_15 = tpu.memref_slice %arg8[%mul3A_0] : memref<10240xf32, #tpu.memory_space<vmem_shared>> -> memref<640xf32, #tpu.memory_space<vmem_shared>>
      %dma_start3A_16 = tpu.memref_slice %arg8[%mul3A_0] : memref<10240xf32, #tpu.memory_space<vmem_shared>> -> memref<640xf32, #tpu.memory_space<vmem_shared>>
      tpu.enqueue_dma source(%arg7 : memref<640xf32, #tpu.memory_space<vmem>>) target(%dma_start3A_16 : memref<640xf32, #tpu.memory_space<vmem_shared>>) target_semaphore(%run_scoped3A : memref<!tpu.dma_semaphore, #tpu.memory_space<semaphore_mem>>)
      %dma_wait3A_17 = tpu.memref_slice %arg8[%mul3A_0] : memref<10240xf32, #tpu.memory_space<vmem_shared>> -> memref<640xf32, #tpu.memory_space<vmem_shared>>
      %dma_wait3A_18 = tpu.memref_slice %arg8[%mul3A_0] : memref<10240xf32, #tpu.memory_space<vmem_shared>> -> memref<640xf32, #tpu.memory_space<vmem_shared>>
      tpu.wait_dma2 semaphore(%run_scoped3A : memref<!tpu.dma_semaphore, #tpu.memory_space<semaphore_mem>>) src(%arg7 : memref<640xf32, #tpu.memory_space<vmem>>) dst(%dma_wait3A_18 : memref<640xf32, #tpu.memory_space<vmem_shared>>)
      tpu.yield
    }) : () -> ()
    %add3A_9 = arith.constant 320000 : i32
    %add3A_10 = arith.addi %add3A_9, %mul3A_2 : i32
    %dma_wait3A = tpu.memref_slice %arg2[%add3A_10] : memref<640000xi32, #tpu.memory_space<hbm>> -> memref<20000xi32, #tpu.memory_space<hbm>>
    %dma_wait3A_11 = tpu.memref_slice %arg2[%add3A_10] : memref<640000xi32, #tpu.memory_space<hbm>> -> memref<20000xi32, #tpu.memory_space<hbm>>
    tpu.wait_dma2 semaphore(%arg9 : memref<!tpu.dma_semaphore, #tpu.memory_space<semaphore_mem>>) src(%dma_wait3A_11 : memref<20000xi32, #tpu.memory_space<hbm>>) dst(%arg5 : memref<20000xi32, #tpu.memory_space<vmem>>)
    tpu.wait_dma2 semaphore(%arg10 : memref<!tpu.dma_semaphore, #tpu.memory_space<semaphore_mem>>) src(%arg3 : memref<20000xf32, #tpu.memory_space<hbm>>) dst(%arg6 : memref<20000xf32, #tpu.memory_space<vmem>>)
    %barrier3A = arith.constant 0 : index
    tpu.barrier barrier_id(%barrier3A)
    "tpu.region"() ({
      %run_scoped3A = tpu.sem_alloc : memref<!tpu.dma_semaphore, #tpu.memory_space<semaphore_mem>>
      %dma_start3A_15 = arith.constant 0 : i32
      %dma_start3A_16 = tpu.memref_slice %arg8[%dma_start3A_15] : memref<10240xf32, #tpu.memory_space<vmem_shared>> -> memref<10240xf32, #tpu.memory_space<vmem_shared>>
      tpu.enqueue_indirect_dma source(%arg6 : memref<20000xf32, #tpu.memory_space<vmem>>) target(%dma_start3A_16 : memref<10240xf32, #tpu.memory_space<vmem_shared>>) offsets(%arg5 : memref<20000xi32, #tpu.memory_space<vmem>>) semaphore(%run_scoped3A : memref<!tpu.dma_semaphore, #tpu.memory_space<semaphore_mem>>) {add = true}
      %dma_wait3A_17 = arith.constant 0 : i32
      %dma_wait3A_18 = tpu.memref_slice %arg8[%dma_wait3A_17] : memref<10240xf32, #tpu.memory_space<vmem_shared>> -> memref<10240xf32, #tpu.memory_space<vmem_shared>>
      tpu.wait_indirect_dma semaphore(%run_scoped3A : memref<!tpu.dma_semaphore, #tpu.memory_space<semaphore_mem>>) src(%arg6 : memref<20000xf32, #tpu.memory_space<vmem>>) dst(%dma_wait3A_18 : memref<10240xf32, #tpu.memory_space<vmem_shared>>)
      tpu.yield
    }) : () -> ()
    %barrier3A_12 = arith.constant 0 : index
    tpu.barrier barrier_id(%barrier3A_12)
    %eq3A = arith.constant 0 : i32
    %eq3A_13 = arith.cmpi eq, %arg0, %eq3A : i32
    %convert_element_type3A = arith.extui %eq3A_13 : i1 to i32
    %cond3A = arith.constant 0 : i32
    %cond3A_14 = arith.cmpi ne, %convert_element_type3A, %cond3A : i32
    scf.if %cond3A_14 {
      "tpu.region"() ({
        %run_scoped3A = tpu.sem_alloc : memref<!tpu.dma_semaphore, #tpu.memory_space<semaphore_mem>>
        %dma_start3A_15 = tpu.memref_slice %arg4[%mul3A_0] : memref<10240xf32, #tpu.memory_space<hbm>> -> memref<640xf32, #tpu.memory_space<hbm>>
        %dma_start3A_16 = tpu.memref_slice %arg8[%mul3A_0] : memref<10240xf32, #tpu.memory_space<vmem_shared>> -> memref<640xf32, #tpu.memory_space<vmem_shared>>
        tpu.enqueue_dma source(%dma_start3A_16 : memref<640xf32, #tpu.memory_space<vmem_shared>>) target(%dma_start3A_15 : memref<640xf32, #tpu.memory_space<hbm>>) target_semaphore(%run_scoped3A : memref<!tpu.dma_semaphore, #tpu.memory_space<semaphore_mem>>)
        %dma_wait3A_17 = tpu.memref_slice %arg4[%mul3A_0] : memref<10240xf32, #tpu.memory_space<hbm>> -> memref<640xf32, #tpu.memory_space<hbm>>
        %dma_wait3A_18 = tpu.memref_slice %arg8[%mul3A_0] : memref<10240xf32, #tpu.memory_space<vmem_shared>> -> memref<640xf32, #tpu.memory_space<vmem_shared>>
        tpu.wait_dma2 semaphore(%run_scoped3A : memref<!tpu.dma_semaphore, #tpu.memory_space<semaphore_mem>>) src(%dma_wait3A_18 : memref<640xf32, #tpu.memory_space<vmem_shared>>) dst(%dma_wait3A_17 : memref<640xf32, #tpu.memory_space<hbm>>)
        tpu.yield
      }) : () -> ()
    } else {
    }
    return
  }
}

#map = affine_map<(d0, d1) -> (0, 0)>
#map1 = affine_map<(d0, d1) -> (0)>
#map2 = affine_map<(d0, d1) -> (0, 0, 0)>
module attributes {stable_mosaic.version = 14 : i64} {
  func.func @_sc_aggregate(%arg0: i32, %arg1: i32, %arg2: memref<10000x128xf32, #tpu.memory_space<hbm>>, %arg3: memref<640000xi32, #tpu.memory_space<hbm>>, %arg4: memref<2x10240x128xf32, #tpu.memory_space<hbm>>, %arg5: memref<10000xi32, #tpu.memory_space<vmem>>, %arg6: memref<3x1x80xi32, #tpu.memory_space<vmem>>, %arg7: memref<3x80x128xf32, #tpu.memory_space<vmem>>, %arg8: memref<10240x128xf32, #tpu.memory_space<vmem_shared>>, %arg9: memref<3x!tpu.dma_semaphore, #tpu.memory_space<semaphore_mem>>, %arg10: memref<3x!tpu.dma_semaphore, #tpu.memory_space<semaphore_mem>>, %arg11: memref<3x!tpu.dma_semaphore, #tpu.memory_space<semaphore_mem>>, %arg12: memref<!tpu.dma_semaphore, #tpu.memory_space<semaphore_mem>>) attributes {dimension_semantics = [#tpu.dimension_semantics<core_parallel>, #tpu.dimension_semantics<subcore_parallel>], iteration_bounds = array<i64: 2, 16>, scalar_prefetch = 0 : i64, scratch_operands = 8 : i64, tpu.core_type = #tpu.core_type<sc_vector_subcore>, window_params = [{transform_indices = #map}, {transform_indices = #map1}, {transform_indices = #map2}]} {
    %mul3A = arith.constant 640 : i32
    %mul3A_0 = arith.muli %arg1, %mul3A : i32
    %mul3A_1 = arith.constant 16 : i32
    %mul3A_2 = arith.muli %arg0, %mul3A_1 : i32
    %add3A = arith.addi %mul3A_2, %arg1 : i32
    %mul3A_3 = arith.constant 10000 : i32
    %mul3A_4 = arith.muli %add3A, %mul3A_3 : i32
    %dma_start3A = tpu.memref_slice %arg3[%mul3A_4] : memref<640000xi32, #tpu.memory_space<hbm>> -> memref<10000xi32, #tpu.memory_space<hbm>>
    %dma_start3A_5 = tpu.memref_slice %arg3[%mul3A_4] : memref<640000xi32, #tpu.memory_space<hbm>> -> memref<10000xi32, #tpu.memory_space<hbm>>
    tpu.enqueue_dma source(%dma_start3A_5 : memref<10000xi32, #tpu.memory_space<hbm>>) target(%arg5 : memref<10000xi32, #tpu.memory_space<vmem>>) target_semaphore(%arg12 : memref<!tpu.dma_semaphore, #tpu.memory_space<semaphore_mem>>)
    %scan3A = arith.constant 0 : i32
    %scan3A_6 = arith.constant 80 : i32
    %scan3A_7 = arith.addi %scan3A, %scan3A_6 : i32
    %scan3A_8 = arith.constant 1 : i32
    scf.for %scan3A_507 = %scan3A to %scan3A_7 step %scan3A_8  : i32 {
      %mul3A_508 = arith.constant 1 : i32
      %mul3A_509 = arith.muli %scan3A_507, %mul3A_508 : i32
      %add3A_510 = arith.constant 0 : i32
      %add3A_511 = arith.addi %add3A_510, %mul3A_509 : i32
      %broadcast_in_dim3A = arith.constant 0.000000e+00 : f32
      %broadcast_in_dim3A_512 = vector.broadcast %broadcast_in_dim3A : f32 to vector<16xf32>
      %swap3A = arith.constant 0 : i32
      %swap3A_513 = arith.index_cast %swap3A : i32 to index
      %swap3A_514 = arith.index_cast %add3A_511 : i32 to index
      %swap3A_515 = arith.constant 0 : index
      %swap3A_516 = tpu.vector_load %arg7[%swap3A_513, %swap3A_514, %swap3A_515] {strides = array<i32>} : memref<3x80x128xf32, #tpu.memory_space<vmem>>, vector<1x1x16xf32>,
      %swap3A_517 = vector.shape_cast %swap3A_516 : vector<1x1x16xf32> to vector<16xf32>
      %swap3A_518 = vector.shape_cast %broadcast_in_dim3A_512 : vector<16xf32> to vector<1x1x16xf32>
      tpu.vector_store %arg7[%swap3A_513, %swap3A_514, %swap3A_515], %swap3A_518 {strides = array<i32>} : memref<3x80x128xf32, #tpu.memory_space<vmem>>, vector<1x1x16xf32>,
      %broadcast_in_dim3A_519 = arith.constant 0.000000e+00 : f32
      %broadcast_in_dim3A_520 = vector.broadcast %broadcast_in_dim3A_519 : f32 to vector<16xf32>
      %swap3A_521 = arith.constant 0 : i32
      %swap3A_522 = arith.index_cast %swap3A_521 : i32 to index
      %swap3A_523 = arith.index_cast %add3A_511 : i32 to index
      %swap3A_524 = arith.constant 16 : index
      %swap3A_525 = tpu.vector_load %arg7[%swap3A_522, %swap3A_523, %swap3A_524] {strides = array<i32>} : memref<3x80x128xf32, #tpu.memory_space<vmem>>, vector<1x1x16xf32>,
      %swap3A_526 = vector.shape_cast %swap3A_525 : vector<1x1x16xf32> to vector<16xf32>
      %swap3A_527 = vector.shape_cast %broadcast_in_dim3A_520 : vector<16xf32> to vector<1x1x16xf32>
      tpu.vector_store %arg7[%swap3A_522, %swap3A_523, %swap3A_524], %swap3A_527 {strides = array<i32>} : memref<3x80x128xf32, #tpu.memory_space<vmem>>, vector<1x1x16xf32>,
      %broadcast_in_dim3A_528 = arith.constant 0.000000e+00 : f32
      %broadcast_in_dim3A_529 = vector.broadcast %broadcast_in_dim3A_528 : f32 to vector<16xf32>
      %swap3A_530 = arith.constant 0 : i32
      %swap3A_531 = arith.index_cast %swap3A_530 : i32 to index
      %swap3A_532 = arith.index_cast %add3A_511 : i32 to index
      %swap3A_533 = arith.constant 32 : index
      %swap3A_534 = tpu.vector_load %arg7[%swap3A_531, %swap3A_532, %swap3A_533] {strides = array<i32>} : memref<3x80x128xf32, #tpu.memory_space<vmem>>, vector<1x1x16xf32>,
      %swap3A_535 = vector.shape_cast %swap3A_534 : vector<1x1x16xf32> to vector<16xf32>
      %swap3A_536 = vector.shape_cast %broadcast_in_dim3A_529 : vector<16xf32> to vector<1x1x16xf32>
      tpu.vector_store %arg7[%swap3A_531, %swap3A_532, %swap3A_533], %swap3A_536 {strides = array<i32>} : memref<3x80x128xf32, #tpu.memory_space<vmem>>, vector<1x1x16xf32>,
      %broadcast_in_dim3A_537 = arith.constant 0.000000e+00 : f32
      %broadcast_in_dim3A_538 = vector.broadcast %broadcast_in_dim3A_537 : f32 to vector<16xf32>
      %swap3A_539 = arith.constant 0 : i32
      %swap3A_540 = arith.index_cast %swap3A_539 : i32 to index
      %swap3A_541 = arith.index_cast %add3A_511 : i32 to index
      %swap3A_542 = arith.constant 48 : index
      %swap3A_543 = tpu.vector_load %arg7[%swap3A_540, %swap3A_541, %swap3A_542] {strides = array<i32>} : memref<3x80x128xf32, #tpu.memory_space<vmem>>, vector<1x1x16xf32>,
      %swap3A_544 = vector.shape_cast %swap3A_543 : vector<1x1x16xf32> to vector<16xf32>
      %swap3A_545 = vector.shape_cast %broadcast_in_dim3A_538 : vector<16xf32> to vector<1x1x16xf32>
      tpu.vector_store %arg7[%swap3A_540, %swap3A_541, %swap3A_542], %swap3A_545 {strides = array<i32>} : memref<3x80x128xf32, #tpu.memory_space<vmem>>, vector<1x1x16xf32>,
      %broadcast_in_dim3A_546 = arith.constant 0.000000e+00 : f32
      %broadcast_in_dim3A_547 = vector.broadcast %broadcast_in_dim3A_546 : f32 to vector<16xf32>
      %swap3A_548 = arith.constant 0 : i32
      %swap3A_549 = arith.index_cast %swap3A_548 : i32 to index
      %swap3A_550 = arith.index_cast %add3A_511 : i32 to index
      %swap3A_551 = arith.constant 64 : index
      %swap3A_552 = tpu.vector_load %arg7[%swap3A_549, %swap3A_550, %swap3A_551] {strides = array<i32>} : memref<3x80x128xf32, #tpu.memory_space<vmem>>, vector<1x1x16xf32>,
      %swap3A_553 = vector.shape_cast %swap3A_552 : vector<1x1x16xf32> to vector<16xf32>
      %swap3A_554 = vector.shape_cast %broadcast_in_dim3A_547 : vector<16xf32> to vector<1x1x16xf32>
      tpu.vector_store %arg7[%swap3A_549, %swap3A_550, %swap3A_551], %swap3A_554 {strides = array<i32>} : memref<3x80x128xf32, #tpu.memory_space<vmem>>, vector<1x1x16xf32>,
      %broadcast_in_dim3A_555 = arith.constant 0.000000e+00 : f32
      %broadcast_in_dim3A_556 = vector.broadcast %broadcast_in_dim3A_555 : f32 to vector<16xf32>
      %swap3A_557 = arith.constant 0 : i32
      %swap3A_558 = arith.index_cast %swap3A_557 : i32 to index
      %swap3A_559 = arith.index_cast %add3A_511 : i32 to index
      %swap3A_560 = arith.constant 80 : index
      %swap3A_561 = tpu.vector_load %arg7[%swap3A_558, %swap3A_559, %swap3A_560] {strides = array<i32>} : memref<3x80x128xf32, #tpu.memory_space<vmem>>, vector<1x1x16xf32>,
      %swap3A_562 = vector.shape_cast %swap3A_561 : vector<1x1x16xf32> to vector<16xf32>
      %swap3A_563 = vector.shape_cast %broadcast_in_dim3A_556 : vector<16xf32> to vector<1x1x16xf32>
      tpu.vector_store %arg7[%swap3A_558, %swap3A_559, %swap3A_560], %swap3A_563 {strides = array<i32>} : memref<3x80x128xf32, #tpu.memory_space<vmem>>, vector<1x1x16xf32>,
      %broadcast_in_dim3A_564 = arith.constant 0.000000e+00 : f32
      %broadcast_in_dim3A_565 = vector.broadcast %broadcast_in_dim3A_564 : f32 to vector<16xf32>
      %swap3A_566 = arith.constant 0 : i32
      %swap3A_567 = arith.index_cast %swap3A_566 : i32 to index
      %swap3A_568 = arith.index_cast %add3A_511 : i32 to index
      %swap3A_569 = arith.constant 96 : index
      %swap3A_570 = tpu.vector_load %arg7[%swap3A_567, %swap3A_568, %swap3A_569] {strides = array<i32>} : memref<3x80x128xf32, #tpu.memory_space<vmem>>, vector<1x1x16xf32>,
      %swap3A_571 = vector.shape_cast %swap3A_570 : vector<1x1x16xf32> to vector<16xf32>
      %swap3A_572 = vector.shape_cast %broadcast_in_dim3A_565 : vector<16xf32> to vector<1x1x16xf32>
      tpu.vector_store %arg7[%swap3A_567, %swap3A_568, %swap3A_569], %swap3A_572 {strides = array<i32>} : memref<3x80x128xf32, #tpu.memory_space<vmem>>, vector<1x1x16xf32>,
      %broadcast_in_dim3A_573 = arith.constant 0.000000e+00 : f32
      %broadcast_in_dim3A_574 = vector.broadcast %broadcast_in_dim3A_573 : f32 to vector<16xf32>
      %swap3A_575 = arith.constant 0 : i32
      %swap3A_576 = arith.index_cast %swap3A_575 : i32 to index
      %swap3A_577 = arith.index_cast %add3A_511 : i32 to index
      %swap3A_578 = arith.constant 112 : index
      %swap3A_579 = tpu.vector_load %arg7[%swap3A_576, %swap3A_577, %swap3A_578] {strides = array<i32>} : memref<3x80x128xf32, #tpu.memory_space<vmem>>, vector<1x1x16xf32>,
      %swap3A_580 = vector.shape_cast %swap3A_579 : vector<1x1x16xf32> to vector<16xf32>
      %swap3A_581 = vector.shape_cast %broadcast_in_dim3A_574 : vector<16xf32> to vector<1x1x16xf32>
      tpu.vector_store %arg7[%swap3A_576, %swap3A_577, %swap3A_578], %swap3A_581 {strides = array<i32>} : memref<3x80x128xf32, #tpu.memory_space<vmem>>, vector<1x1x16xf32>,
    }
    %scan3A_9 = arith.constant 80 : i32
    %scan3A_10 = arith.constant 0 : i32
    %scan3A_11 = arith.constant 8 : i32
    %scan3A_12 = arith.addi %scan3A_10, %scan3A_11 : i32
    %scan3A_13 = arith.constant 1 : i32
    scf.for %scan3A_507 = %scan3A_10 to %scan3A_12 step %scan3A_13  : i32 {
      %mul3A_508 = arith.constant 80 : i32
      %mul3A_509 = arith.muli %scan3A_507, %mul3A_508 : i32
      %add3A_510 = arith.constant 0 : i32
      %add3A_511 = arith.addi %add3A_510, %mul3A_509 : i32
      %add3A_512 = arith.addi %mul3A_0, %add3A_511 : i32
      %run_scoped3A = arith.constant 0 : i32
      "tpu.region"() ({
        %run_scoped3A_513 = tpu.sem_alloc : memref<!tpu.dma_semaphore, #tpu.memory_space<semaphore_mem>>
        %dma_start3A_514 = arith.constant 0 : i32
        %dma_start3A_515 = arith.constant 0 : i32
        %dma_start3A_516 = tpu.memref_slice %arg7[%run_scoped3A, %dma_start3A_514, %dma_start3A_515] : memref<3x80x128xf32, #tpu.memory_space<vmem>> -> memref<1x80x128xf32, #tpu.memory_space<vmem>>
        %dma_start3A_517 = tpu.memref_squeeze %dma_start3A_516 : memref<1x80x128xf32, #tpu.memory_space<vmem>> -> memref<80x128xf32, #tpu.memory_space<vmem>>
        %dma_start3A_518 = arith.constant 0 : i32
        %dma_start3A_519 = tpu.memref_slice %arg8[%add3A_512, %dma_start3A_518] : memref<10240x128xf32, #tpu.memory_space<vmem_shared>> -> memref<80x128xf32, #tpu.memory_space<vmem_shared>>
        %dma_start3A_520 = arith.constant 0 : i32
        %dma_start3A_521 = tpu.memref_slice %arg8[%add3A_512, %dma_start3A_520] : memref<10240x128xf32, #tpu.memory_space<vmem_shared>> -> memref<80x128xf32, #tpu.memory_space<vmem_shared>>
        %dma_start3A_522 = arith.constant 0 : i32
        %dma_start3A_523 = arith.constant 0 : i32
        %dma_start3A_524 = tpu.memref_slice %arg7[%run_scoped3A, %dma_start3A_522, %dma_start3A_523] : memref<3x80x128xf32, #tpu.memory_space<vmem>> -> memref<1x80x128xf32, #tpu.memory_space<vmem>>
        %dma_start3A_525 = tpu.memref_squeeze %dma_start3A_524 : memref<1x80x128xf32, #tpu.memory_space<vmem>> -> memref<80x128xf32, #tpu.memory_space<vmem>>
        tpu.enqueue_dma source(%dma_start3A_525 : memref<80x128xf32, #tpu.memory_space<vmem>>) target(%dma_start3A_521 : memref<80x128xf32, #tpu.memory_space<vmem_shared>>) target_semaphore(%run_scoped3A_513 : memref<!tpu.dma_semaphore, #tpu.memory_space<semaphore_mem>>)
        %dma_wait3A_526 = arith.constant 0 : i32
        %dma_wait3A_527 = arith.constant 0 : i32
        %dma_wait3A_528 = tpu.memref_slice %arg7[%run_scoped3A, %dma_wait3A_526, %dma_wait3A_527] : memref<3x80x128xf32, #tpu.memory_space<vmem>> -> memref<1x80x128xf32, #tpu.memory_space<vmem>>
        %dma_wait3A_529 = tpu.memref_squeeze %dma_wait3A_528 : memref<1x80x128xf32, #tpu.memory_space<vmem>> -> memref<80x128xf32, #tpu.memory_space<vmem>>
        %dma_wait3A_530 = arith.constant 0 : i32
        %dma_wait3A_531 = tpu.memref_slice %arg8[%add3A_512, %dma_wait3A_530] : memref<10240x128xf32, #tpu.memory_space<vmem_shared>> -> memref<80x128xf32, #tpu.memory_space<vmem_shared>>
        %dma_wait3A_532 = arith.constant 0 : i32
        %dma_wait3A_533 = tpu.memref_slice %arg8[%add3A_512, %dma_wait3A_532] : memref<10240x128xf32, #tpu.memory_space<vmem_shared>> -> memref<80x128xf32, #tpu.memory_space<vmem_shared>>
        %dma_wait3A_534 = arith.constant 0 : i32
        %dma_wait3A_535 = arith.constant 0 : i32
        %dma_wait3A_536 = tpu.memref_slice %arg7[%run_scoped3A, %dma_wait3A_534, %dma_wait3A_535] : memref<3x80x128xf32, #tpu.memory_space<vmem>> -> memref<1x80x128xf32, #tpu.memory_space<vmem>>
        %dma_wait3A_537 = tpu.memref_squeeze %dma_wait3A_536 : memref<1x80x128xf32, #tpu.memory_space<vmem>> -> memref<80x128xf32, #tpu.memory_space<vmem>>
        tpu.wait_dma2 semaphore(%run_scoped3A_513 : memref<!tpu.dma_semaphore, #tpu.memory_space<semaphore_mem>>) src(%dma_wait3A_537 : memref<80x128xf32, #tpu.memory_space<vmem>>) dst(%dma_wait3A_533 : memref<80x128xf32, #tpu.memory_space<vmem_shared>>)
        tpu.yield
      }) : () -> ()
    }
    %scan3A_14 = arith.constant 8 : i32
    %dma_wait3A = tpu.memref_slice %arg3[%mul3A_4] : memref<640000xi32, #tpu.memory_space<hbm>> -> memref<10000xi32, #tpu.memory_space<hbm>>
    %dma_wait3A_15 = tpu.memref_slice %arg3[%mul3A_4] : memref<640000xi32, #tpu.memory_space<hbm>> -> memref<10000xi32, #tpu.memory_space<hbm>>
    tpu.wait_dma2 semaphore(%arg12 : memref<!tpu.dma_semaphore, #tpu.memory_space<semaphore_mem>>) src(%dma_wait3A_15 : memref<10000xi32, #tpu.memory_space<hbm>>) dst(%arg5 : memref<10000xi32, #tpu.memory_space<vmem>>)
    %barrier3A = arith.constant 0 : index
    tpu.barrier barrier_id(%barrier3A)
    %add3A_16 = arith.constant 320000 : i32
    %add3A_17 = arith.addi %add3A_16, %mul3A_4 : i32
    %add3A_18 = arith.constant 0 : i32
    %add3A_19 = arith.addi %add3A_17, %add3A_18 : i32
    %dma_start3A_20 = arith.constant 0 : i32
    %dma_start3A_21 = arith.constant 0 : i32
    %dma_start3A_22 = arith.constant 0 : i32
    %dma_start3A_23 = arith.constant 0 : i32
    %dma_start3A_24 = tpu.memref_slice %arg6[%dma_start3A_20, %dma_start3A_21, %dma_start3A_23] : memref<3x1x80xi32, #tpu.memory_space<vmem>> -> memref<1x1x80xi32, #tpu.memory_space<vmem>>
    %dma_start3A_25 = tpu.memref_squeeze %dma_start3A_24 : memref<1x1x80xi32, #tpu.memory_space<vmem>> -> memref<80xi32, #tpu.memory_space<vmem>>
    %dma_start3A_26 = tpu.memref_slice %arg3[%add3A_19] : memref<640000xi32, #tpu.memory_space<hbm>> -> memref<80xi32, #tpu.memory_space<hbm>>
    %dma_start3A_27 = tpu.memref_slice %arg9[%dma_start3A_22] : memref<3x!tpu.dma_semaphore, #tpu.memory_space<semaphore_mem>> -> memref<1x!tpu.dma_semaphore, #tpu.memory_space<semaphore_mem>>
    %dma_start3A_28 = tpu.memref_squeeze %dma_start3A_27 : memref<1x!tpu.dma_semaphore, #tpu.memory_space<semaphore_mem>> -> memref<!tpu.dma_semaphore, #tpu.memory_space<semaphore_mem>>
    %dma_start3A_29 = arith.constant 0 : i32
    %dma_start3A_30 = tpu.memref_slice %arg6[%dma_start3A_20, %dma_start3A_21, %dma_start3A_29] : memref<3x1x80xi32, #tpu.memory_space<vmem>> -> memref<1x1x80xi32, #tpu.memory_space<vmem>>
    %dma_start3A_31 = tpu.memref_squeeze %dma_start3A_30 : memref<1x1x80xi32, #tpu.memory_space<vmem>> -> memref<80xi32, #tpu.memory_space<vmem>>
    %dma_start3A_32 = tpu.memref_slice %arg3[%add3A_19] : memref<640000xi32, #tpu.memory_space<hbm>> -> memref<80xi32, #tpu.memory_space<hbm>>
    tpu.enqueue_dma source(%dma_start3A_32 : memref<80xi32, #tpu.memory_space<hbm>>) target(%dma_start3A_31 : memref<80xi32, #tpu.memory_space<vmem>>) target_semaphore(%dma_start3A_28 : memref<!tpu.dma_semaphore, #tpu.memory_space<semaphore_mem>>)
    %dma_start3A_33 = arith.constant 0 : i32
    %dma_start3A_34 = arith.constant 0 : i32
    %dma_start3A_35 = arith.constant 0 : i32
    %dma_start3A_36 = arith.constant 0 : i32
    %dma_start3A_37 = tpu.memref_slice %arg7[%dma_start3A_33, %dma_start3A_35, %dma_start3A_36] : memref<3x80x128xf32, #tpu.memory_space<vmem>> -> memref<1x80x128xf32, #tpu.memory_space<vmem>>
    %dma_start3A_38 = tpu.memref_squeeze %dma_start3A_37 : memref<1x80x128xf32, #tpu.memory_space<vmem>> -> memref<80x128xf32, #tpu.memory_space<vmem>>
    %dma_start3A_39 = arith.constant 0 : i32
    %dma_start3A_40 = tpu.memref_slice %arg5[%dma_start3A_39] : memref<10000xi32, #tpu.memory_space<vmem>> -> memref<80xi32, #tpu.memory_space<vmem>>
    %dma_start3A_41 = arith.constant 0 : i32
    %dma_start3A_42 = arith.constant 0 : i32
    %dma_start3A_43 = tpu.memref_slice %arg2[%dma_start3A_41, %dma_start3A_42] : memref<10000x128xf32, #tpu.memory_space<hbm>> -> memref<10000x128xf32, #tpu.memory_space<hbm>>
    %dma_start3A_44 = tpu.memref_slice %arg10[%dma_start3A_34] : memref<3x!tpu.dma_semaphore, #tpu.memory_space<semaphore_mem>> -> memref<1x!tpu.dma_semaphore, #tpu.memory_space<semaphore_mem>>
    %dma_start3A_45 = tpu.memref_squeeze %dma_start3A_44 : memref<1x!tpu.dma_semaphore, #tpu.memory_space<semaphore_mem>> -> memref<!tpu.dma_semaphore, #tpu.memory_space<semaphore_mem>>
    tpu.enqueue_indirect_dma source(%dma_start3A_43 : memref<10000x128xf32, #tpu.memory_space<hbm>>) target(%dma_start3A_38 : memref<80x128xf32, #tpu.memory_space<vmem>>) offsets(%dma_start3A_40 : memref<80xi32, #tpu.memory_space<vmem>>) semaphore(%dma_start3A_45 : memref<!tpu.dma_semaphore, #tpu.memory_space<semaphore_mem>>)
    %add3A_46 = arith.constant 320000 : i32
    %add3A_47 = arith.addi %add3A_46, %mul3A_4 : i32
    %add3A_48 = arith.constant 80 : i32
    %add3A_49 = arith.addi %add3A_47, %add3A_48 : i32
    %dma_start3A_50 = arith.constant 1 : i32
    %dma_start3A_51 = arith.constant 0 : i32
    %dma_start3A_52 = arith.constant 1 : i32
    %dma_start3A_53 = arith.constant 0 : i32
    %dma_start3A_54 = tpu.memref_slice %arg6[%dma_start3A_50, %dma_start3A_51, %dma_start3A_53] : memref<3x1x80xi32, #tpu.memory_space<vmem>> -> memref<1x1x80xi32, #tpu.memory_space<vmem>>
    %dma_start3A_55 = tpu.memref_squeeze %dma_start3A_54 : memref<1x1x80xi32, #tpu.memory_space<vmem>> -> memref<80xi32, #tpu.memory_space<vmem>>
    %dma_start3A_56 = tpu.memref_slice %arg3[%add3A_49] : memref<640000xi32, #tpu.memory_space<hbm>> -> memref<80xi32, #tpu.memory_space<hbm>>
    %dma_start3A_57 = tpu.memref_slice %arg9[%dma_start3A_52] : memref<3x!tpu.dma_semaphore, #tpu.memory_space<semaphore_mem>> -> memref<1x!tpu.dma_semaphore, #tpu.memory_space<semaphore_mem>>
    %dma_start3A_58 = tpu.memref_squeeze %dma_start3A_57 : memref<1x!tpu.dma_semaphore, #tpu.memory_space<semaphore_mem>> -> memref<!tpu.dma_semaphore, #tpu.memory_space<semaphore_mem>>
    %dma_start3A_59 = arith.constant 0 : i32
    %dma_start3A_60 = tpu.memref_slice %arg6[%dma_start3A_50, %dma_start3A_51, %dma_start3A_59] : memref<3x1x80xi32, #tpu.memory_space<vmem>> -> memref<1x1x80xi32, #tpu.memory_space<vmem>>
    %dma_start3A_61 = tpu.memref_squeeze %dma_start3A_60 : memref<1x1x80xi32, #tpu.memory_space<vmem>> -> memref<80xi32, #tpu.memory_space<vmem>>
    %dma_start3A_62 = tpu.memref_slice %arg3[%add3A_49] : memref<640000xi32, #tpu.memory_space<hbm>> -> memref<80xi32, #tpu.memory_space<hbm>>
    tpu.enqueue_dma source(%dma_start3A_62 : memref<80xi32, #tpu.memory_space<hbm>>) target(%dma_start3A_61 : memref<80xi32, #tpu.memory_space<vmem>>) target_semaphore(%dma_start3A_58 : memref<!tpu.dma_semaphore, #tpu.memory_space<semaphore_mem>>)
    %dma_start3A_63 = arith.constant 1 : i32
    %dma_start3A_64 = arith.constant 1 : i32
    %dma_start3A_65 = arith.constant 0 : i32
    %dma_start3A_66 = arith.constant 0 : i32
    %dma_start3A_67 = tpu.memref_slice %arg7[%dma_start3A_63, %dma_start3A_65, %dma_start3A_66] : memref<3x80x128xf32, #tpu.memory_space<vmem>> -> memref<1x80x128xf32, #tpu.memory_space<vmem>>
    %dma_start3A_68 = tpu.memref_squeeze %dma_start3A_67 : memref<1x80x128xf32, #tpu.memory_space<vmem>> -> memref<80x128xf32, #tpu.memory_space<vmem>>
    %dma_start3A_69 = arith.constant 80 : i32
    %dma_start3A_70 = tpu.memref_slice %arg5[%dma_start3A_69] : memref<10000xi32, #tpu.memory_space<vmem>> -> memref<80xi32, #tpu.memory_space<vmem>>
    %dma_start3A_71 = arith.constant 0 : i32
    %dma_start3A_72 = arith.constant 0 : i32
    %dma_start3A_73 = tpu.memref_slice %arg2[%dma_start3A_71, %dma_start3A_72] : memref<10000x128xf32, #tpu.memory_space<hbm>> -> memref<10000x128xf32, #tpu.memory_space<hbm>>
    %dma_start3A_74 = tpu.memref_slice %arg10[%dma_start3A_64] : memref<3x!tpu.dma_semaphore, #tpu.memory_space<semaphore_mem>> -> memref<1x!tpu.dma_semaphore, #tpu.memory_space<semaphore_mem>>
    %dma_start3A_75 = tpu.memref_squeeze %dma_start3A_74 : memref<1x!tpu.dma_semaphore, #tpu.memory_space<semaphore_mem>> -> memref<!tpu.dma_semaphore, #tpu.memory_space<semaphore_mem>>
    tpu.enqueue_indirect_dma source(%dma_start3A_73 : memref<10000x128xf32, #tpu.memory_space<hbm>>) target(%dma_start3A_68 : memref<80x128xf32, #tpu.memory_space<vmem>>) offsets(%dma_start3A_70 : memref<80xi32, #tpu.memory_space<vmem>>) semaphore(%dma_start3A_75 : memref<!tpu.dma_semaphore, #tpu.memory_space<semaphore_mem>>)
    %dma_wait3A_76 = arith.constant 0 : i32
    %dma_wait3A_77 = arith.constant 0 : i32
    %dma_wait3A_78 = arith.constant 0 : i32
    %dma_wait3A_79 = arith.constant 0 : i32
    %dma_wait3A_80 = tpu.memref_slice %arg6[%dma_wait3A_76, %dma_wait3A_77, %dma_wait3A_79] : memref<3x1x80xi32, #tpu.memory_space<vmem>> -> memref<1x1x80xi32, #tpu.memory_space<vmem>>
    %dma_wait3A_81 = tpu.memref_squeeze %dma_wait3A_80 : memref<1x1x80xi32, #tpu.memory_space<vmem>> -> memref<80xi32, #tpu.memory_space<vmem>>
    %dma_wait3A_82 = arith.constant 0 : i32
    %dma_wait3A_83 = tpu.memref_slice %arg3[%dma_wait3A_82] : memref<640000xi32, #tpu.memory_space<hbm>> -> memref<80xi32, #tpu.memory_space<hbm>>
    %dma_wait3A_84 = tpu.memref_slice %arg9[%dma_wait3A_78] : memref<3x!tpu.dma_semaphore, #tpu.memory_space<semaphore_mem>> -> memref<1x!tpu.dma_semaphore, #tpu.memory_space<semaphore_mem>>
    %dma_wait3A_85 = tpu.memref_squeeze %dma_wait3A_84 : memref<1x!tpu.dma_semaphore, #tpu.memory_space<semaphore_mem>> -> memref<!tpu.dma_semaphore, #tpu.memory_space<semaphore_mem>>
    %dma_wait3A_86 = arith.constant 0 : i32
    %dma_wait3A_87 = tpu.memref_slice %arg6[%dma_wait3A_76, %dma_wait3A_77, %dma_wait3A_86] : memref<3x1x80xi32, #tpu.memory_space<vmem>> -> memref<1x1x80xi32, #tpu.memory_space<vmem>>
    %dma_wait3A_88 = tpu.memref_squeeze %dma_wait3A_87 : memref<1x1x80xi32, #tpu.memory_space<vmem>> -> memref<80xi32, #tpu.memory_space<vmem>>
    %dma_wait3A_89 = arith.constant 0 : i32
    %dma_wait3A_90 = tpu.memref_slice %arg3[%dma_wait3A_89] : memref<640000xi32, #tpu.memory_space<hbm>> -> memref<80xi32, #tpu.memory_space<hbm>>
    tpu.wait_dma2 semaphore(%dma_wait3A_85 : memref<!tpu.dma_semaphore, #tpu.memory_space<semaphore_mem>>) src(%dma_wait3A_90 : memref<80xi32, #tpu.memory_space<hbm>>) dst(%dma_wait3A_88 : memref<80xi32, #tpu.memory_space<vmem>>)
    %dma_wait3A_91 = arith.constant 0 : i32
    %dma_wait3A_92 = arith.constant 0 : i32
    %dma_wait3A_93 = arith.constant 0 : i32
    %dma_wait3A_94 = arith.constant 0 : i32
    %dma_wait3A_95 = tpu.memref_slice %arg7[%dma_wait3A_91, %dma_wait3A_93, %dma_wait3A_94] : memref<3x80x128xf32, #tpu.memory_space<vmem>> -> memref<1x80x128xf32, #tpu.memory_space<vmem>>
    %dma_wait3A_96 = tpu.memref_squeeze %dma_wait3A_95 : memref<1x80x128xf32, #tpu.memory_space<vmem>> -> memref<80x128xf32, #tpu.memory_space<vmem>>
    %dma_wait3A_97 = arith.constant 0 : i32
    %dma_wait3A_98 = arith.constant 0 : i32
    %dma_wait3A_99 = tpu.memref_slice %arg2[%dma_wait3A_97, %dma_wait3A_98] : memref<10000x128xf32, #tpu.memory_space<hbm>> -> memref<80x128xf32, #tpu.memory_space<hbm>>
    %dma_wait3A_100 = tpu.memref_slice %arg10[%dma_wait3A_92] : memref<3x!tpu.dma_semaphore, #tpu.memory_space<semaphore_mem>> -> memref<1x!tpu.dma_semaphore, #tpu.memory_space<semaphore_mem>>
    %dma_wait3A_101 = tpu.memref_squeeze %dma_wait3A_100 : memref<1x!tpu.dma_semaphore, #tpu.memory_space<semaphore_mem>> -> memref<!tpu.dma_semaphore, #tpu.memory_space<semaphore_mem>>
    %dma_wait3A_102 = arith.constant 0 : i32
    %dma_wait3A_103 = arith.constant 0 : i32
    %dma_wait3A_104 = tpu.memref_slice %arg7[%dma_wait3A_91, %dma_wait3A_102, %dma_wait3A_103] : memref<3x80x128xf32, #tpu.memory_space<vmem>> -> memref<1x80x128xf32, #tpu.memory_space<vmem>>
    %dma_wait3A_105 = tpu.memref_squeeze %dma_wait3A_104 : memref<1x80x128xf32, #tpu.memory_space<vmem>> -> memref<80x128xf32, #tpu.memory_space<vmem>>
    %dma_wait3A_106 = arith.constant 0 : i32
    %dma_wait3A_107 = arith.constant 0 : i32
    %dma_wait3A_108 = tpu.memref_slice %arg2[%dma_wait3A_106, %dma_wait3A_107] : memref<10000x128xf32, #tpu.memory_space<hbm>> -> memref<80x128xf32, #tpu.memory_space<hbm>>
    tpu.wait_dma2 semaphore(%dma_wait3A_101 : memref<!tpu.dma_semaphore, #tpu.memory_space<semaphore_mem>>) src(%dma_wait3A_108 : memref<80x128xf32, #tpu.memory_space<hbm>>) dst(%dma_wait3A_105 : memref<80x128xf32, #tpu.memory_space<vmem>>)
    %dma_start3A_109 = arith.constant 0 : i32
    %dma_start3A_110 = arith.constant 0 : i32
    %dma_start3A_111 = arith.constant 0 : i32
    %dma_start3A_112 = arith.constant 0 : i32
    %dma_start3A_113 = arith.constant 0 : i32
    %dma_start3A_114 = arith.constant 0 : i32
    %dma_start3A_115 = tpu.memref_slice %arg7[%dma_start3A_109, %dma_start3A_113, %dma_start3A_114] : memref<3x80x128xf32, #tpu.memory_space<vmem>> -> memref<1x80x128xf32, #tpu.memory_space<vmem>>
    %dma_start3A_116 = tpu.memref_squeeze %dma_start3A_115 : memref<1x80x128xf32, #tpu.memory_space<vmem>> -> memref<80x128xf32, #tpu.memory_space<vmem>>
    %dma_start3A_117 = arith.constant 0 : i32
    %dma_start3A_118 = tpu.memref_slice %arg6[%dma_start3A_110, %dma_start3A_111, %dma_start3A_117] : memref<3x1x80xi32, #tpu.memory_space<vmem>> -> memref<1x1x80xi32, #tpu.memory_space<vmem>>
    %dma_start3A_119 = tpu.memref_squeeze %dma_start3A_118 : memref<1x1x80xi32, #tpu.memory_space<vmem>> -> memref<80xi32, #tpu.memory_space<vmem>>
    %dma_start3A_120 = arith.constant 0 : i32
    %dma_start3A_121 = arith.constant 0 : i32
    %dma_start3A_122 = tpu.memref_slice %arg8[%dma_start3A_120, %dma_start3A_121] : memref<10240x128xf32, #tpu.memory_space<vmem_shared>> -> memref<10240x128xf32, #tpu.memory_space<vmem_shared>>
    %dma_start3A_123 = tpu.memref_slice %arg11[%dma_start3A_112] : memref<3x!tpu.dma_semaphore, #tpu.memory_space<semaphore_mem>> -> memref<1x!tpu.dma_semaphore, #tpu.memory_space<semaphore_mem>>
    %dma_start3A_124 = tpu.memref_squeeze %dma_start3A_123 : memref<1x!tpu.dma_semaphore, #tpu.memory_space<semaphore_mem>> -> memref<!tpu.dma_semaphore, #tpu.memory_space<semaphore_mem>>
    tpu.enqueue_indirect_dma source(%dma_start3A_116 : memref<80x128xf32, #tpu.memory_space<vmem>>) target(%dma_start3A_122 : memref<10240x128xf32, #tpu.memory_space<vmem_shared>>) offsets(%dma_start3A_119 : memref<80xi32, #tpu.memory_space<vmem>>) semaphore(%dma_start3A_124 : memref<!tpu.dma_semaphore, #tpu.memory_space<semaphore_mem>>) {add = true}
    %add3A_125 = arith.constant 320000 : i32
    %add3A_126 = arith.addi %add3A_125, %mul3A_4 : i32
    %add3A_127 = arith.constant 160 : i32
    %add3A_128 = arith.addi %add3A_126, %add3A_127 : i32
    %dma_start3A_129 = arith.constant 2 : i32
    %dma_start3A_130 = arith.constant 0 : i32
    %dma_start3A_131 = arith.constant 2 : i32
    %dma_start3A_132 = arith.constant 0 : i32
    %dma_start3A_133 = tpu.memref_slice %arg6[%dma_start3A_129, %dma_start3A_130, %dma_start3A_132] : memref<3x1x80xi32, #tpu.memory_space<vmem>> -> memref<1x1x80xi32, #tpu.memory_space<vmem>>
    %dma_start3A_134 = tpu.memref_squeeze %dma_start3A_133 : memref<1x1x80xi32, #tpu.memory_space<vmem>> -> memref<80xi32, #tpu.memory_space<vmem>>
    %dma_start3A_135 = tpu.memref_slice %arg3[%add3A_128] : memref<640000xi32, #tpu.memory_space<hbm>> -> memref<80xi32, #tpu.memory_space<hbm>>
    %dma_start3A_136 = tpu.memref_slice %arg9[%dma_start3A_131] : memref<3x!tpu.dma_semaphore, #tpu.memory_space<semaphore_mem>> -> memref<1x!tpu.dma_semaphore, #tpu.memory_space<semaphore_mem>>
    %dma_start3A_137 = tpu.memref_squeeze %dma_start3A_136 : memref<1x!tpu.dma_semaphore, #tpu.memory_space<semaphore_mem>> -> memref<!tpu.dma_semaphore, #tpu.memory_space<semaphore_mem>>
    %dma_start3A_138 = arith.constant 0 : i32
    %dma_start3A_139 = tpu.memref_slice %arg6[%dma_start3A_129, %dma_start3A_130, %dma_start3A_138] : memref<3x1x80xi32, #tpu.memory_space<vmem>> -> memref<1x1x80xi32, #tpu.memory_space<vmem>>
    %dma_start3A_140 = tpu.memref_squeeze %dma_start3A_139 : memref<1x1x80xi32, #tpu.memory_space<vmem>> -> memref<80xi32, #tpu.memory_space<vmem>>
    %dma_start3A_141 = tpu.memref_slice %arg3[%add3A_128] : memref<640000xi32, #tpu.memory_space<hbm>> -> memref<80xi32, #tpu.memory_space<hbm>>
    tpu.enqueue_dma source(%dma_start3A_141 : memref<80xi32, #tpu.memory_space<hbm>>) target(%dma_start3A_140 : memref<80xi32, #tpu.memory_space<vmem>>) target_semaphore(%dma_start3A_137 : memref<!tpu.dma_semaphore, #tpu.memory_space<semaphore_mem>>)
    %dma_start3A_142 = arith.constant 2 : i32
    %dma_start3A_143 = arith.constant 2 : i32
    %dma_start3A_144 = arith.constant 0 : i32
    %dma_start3A_145 = arith.constant 0 : i32
    %dma_start3A_146 = tpu.memref_slice %arg7[%dma_start3A_142, %dma_start3A_144, %dma_start3A_145] : memref<3x80x128xf32, #tpu.memory_space<vmem>> -> memref<1x80x128xf32, #tpu.memory_space<vmem>>
    %dma_start3A_147 = tpu.memref_squeeze %dma_start3A_146 : memref<1x80x128xf32, #tpu.memory_space<vmem>> -> memref<80x128xf32, #tpu.memory_space<vmem>>
    %dma_start3A_148 = arith.constant 160 : i32
    %dma_start3A_149 = tpu.memref_slice %arg5[%dma_start3A_148] : memref<10000xi32, #tpu.memory_space<vmem>> -> memref<80xi32, #tpu.memory_space<vmem>>
    %dma_start3A_150 = arith.constant 0 : i32
    %dma_start3A_151 = arith.constant 0 : i32
    %dma_start3A_152 = tpu.memref_slice %arg2[%dma_start3A_150, %dma_start3A_151] : memref<10000x128xf32, #tpu.memory_space<hbm>> -> memref<10000x128xf32, #tpu.memory_space<hbm>>
    %dma_start3A_153 = tpu.memref_slice %arg10[%dma_start3A_143] : memref<3x!tpu.dma_semaphore, #tpu.memory_space<semaphore_mem>> -> memref<1x!tpu.dma_semaphore, #tpu.memory_space<semaphore_mem>>
    %dma_start3A_154 = tpu.memref_squeeze %dma_start3A_153 : memref<1x!tpu.dma_semaphore, #tpu.memory_space<semaphore_mem>> -> memref<!tpu.dma_semaphore, #tpu.memory_space<semaphore_mem>>
    tpu.enqueue_indirect_dma source(%dma_start3A_152 : memref<10000x128xf32, #tpu.memory_space<hbm>>) target(%dma_start3A_147 : memref<80x128xf32, #tpu.memory_space<vmem>>) offsets(%dma_start3A_149 : memref<80xi32, #tpu.memory_space<vmem>>) semaphore(%dma_start3A_154 : memref<!tpu.dma_semaphore, #tpu.memory_space<semaphore_mem>>)
    %dma_wait3A_155 = arith.constant 1 : i32
    %dma_wait3A_156 = arith.constant 0 : i32
    %dma_wait3A_157 = arith.constant 1 : i32
    %dma_wait3A_158 = arith.constant 0 : i32
    %dma_wait3A_159 = tpu.memref_slice %arg6[%dma_wait3A_155, %dma_wait3A_156, %dma_wait3A_158] : memref<3x1x80xi32, #tpu.memory_space<vmem>> -> memref<1x1x80xi32, #tpu.memory_space<vmem>>
    %dma_wait3A_160 = tpu.memref_squeeze %dma_wait3A_159 : memref<1x1x80xi32, #tpu.memory_space<vmem>> -> memref<80xi32, #tpu.memory_space<vmem>>
    %dma_wait3A_161 = arith.constant 0 : i32
    %dma_wait3A_162 = tpu.memref_slice %arg3[%dma_wait3A_161] : memref<640000xi32, #tpu.memory_space<hbm>> -> memref<80xi32, #tpu.memory_space<hbm>>
    %dma_wait3A_163 = tpu.memref_slice %arg9[%dma_wait3A_157] : memref<3x!tpu.dma_semaphore, #tpu.memory_space<semaphore_mem>> -> memref<1x!tpu.dma_semaphore, #tpu.memory_space<semaphore_mem>>
    %dma_wait3A_164 = tpu.memref_squeeze %dma_wait3A_163 : memref<1x!tpu.dma_semaphore, #tpu.memory_space<semaphore_mem>> -> memref<!tpu.dma_semaphore, #tpu.memory_space<semaphore_mem>>
    %dma_wait3A_165 = arith.constant 0 : i32
    %dma_wait3A_166 = tpu.memref_slice %arg6[%dma_wait3A_155, %dma_wait3A_156, %dma_wait3A_165] : memref<3x1x80xi32, #tpu.memory_space<vmem>> -> memref<1x1x80xi32, #tpu.memory_space<vmem>>
    %dma_wait3A_167 = tpu.memref_squeeze %dma_wait3A_166 : memref<1x1x80xi32, #tpu.memory_space<vmem>> -> memref<80xi32, #tpu.memory_space<vmem>>
    %dma_wait3A_168 = arith.constant 0 : i32
    %dma_wait3A_169 = tpu.memref_slice %arg3[%dma_wait3A_168] : memref<640000xi32, #tpu.memory_space<hbm>> -> memref<80xi32, #tpu.memory_space<hbm>>
    tpu.wait_dma2 semaphore(%dma_wait3A_164 : memref<!tpu.dma_semaphore, #tpu.memory_space<semaphore_mem>>) src(%dma_wait3A_169 : memref<80xi32, #tpu.memory_space<hbm>>) dst(%dma_wait3A_167 : memref<80xi32, #tpu.memory_space<vmem>>)
    %dma_wait3A_170 = arith.constant 1 : i32
    %dma_wait3A_171 = arith.constant 1 : i32
    %dma_wait3A_172 = arith.constant 0 : i32
    %dma_wait3A_173 = arith.constant 0 : i32
    %dma_wait3A_174 = tpu.memref_slice %arg7[%dma_wait3A_170, %dma_wait3A_172, %dma_wait3A_173] : memref<3x80x128xf32, #tpu.memory_space<vmem>> -> memref<1x80x128xf32, #tpu.memory_space<vmem>>
    %dma_wait3A_175 = tpu.memref_squeeze %dma_wait3A_174 : memref<1x80x128xf32, #tpu.memory_space<vmem>> -> memref<80x128xf32, #tpu.memory_space<vmem>>
    %dma_wait3A_176 = arith.constant 0 : i32
    %dma_wait3A_177 = arith.constant 0 : i32
    %dma_wait3A_178 = tpu.memref_slice %arg2[%dma_wait3A_176, %dma_wait3A_177] : memref<10000x128xf32, #tpu.memory_space<hbm>> -> memref<80x128xf32, #tpu.memory_space<hbm>>
    %dma_wait3A_179 = tpu.memref_slice %arg10[%dma_wait3A_171] : memref<3x!tpu.dma_semaphore, #tpu.memory_space<semaphore_mem>> -> memref<1x!tpu.dma_semaphore, #tpu.memory_space<semaphore_mem>>
    %dma_wait3A_180 = tpu.memref_squeeze %dma_wait3A_179 : memref<1x!tpu.dma_semaphore, #tpu.memory_space<semaphore_mem>> -> memref<!tpu.dma_semaphore, #tpu.memory_space<semaphore_mem>>
    %dma_wait3A_181 = arith.constant 0 : i32
    %dma_wait3A_182 = arith.constant 0 : i32
    %dma_wait3A_183 = tpu.memref_slice %arg7[%dma_wait3A_170, %dma_wait3A_181, %dma_wait3A_182] : memref<3x80x128xf32, #tpu.memory_space<vmem>> -> memref<1x80x128xf32, #tpu.memory_space<vmem>>
    %dma_wait3A_184 = tpu.memref_squeeze %dma_wait3A_183 : memref<1x80x128xf32, #tpu.memory_space<vmem>> -> memref<80x128xf32, #tpu.memory_space<vmem>>
    %dma_wait3A_185 = arith.constant 0 : i32
    %dma_wait3A_186 = arith.constant 0 : i32
    %dma_wait3A_187 = tpu.memref_slice %arg2[%dma_wait3A_185, %dma_wait3A_186] : memref<10000x128xf32, #tpu.memory_space<hbm>> -> memref<80x128xf32, #tpu.memory_space<hbm>>
    tpu.wait_dma2 semaphore(%dma_wait3A_180 : memref<!tpu.dma_semaphore, #tpu.memory_space<semaphore_mem>>) src(%dma_wait3A_187 : memref<80x128xf32, #tpu.memory_space<hbm>>) dst(%dma_wait3A_184 : memref<80x128xf32, #tpu.memory_space<vmem>>)
    %dma_start3A_188 = arith.constant 1 : i32
    %dma_start3A_189 = arith.constant 1 : i32
    %dma_start3A_190 = arith.constant 0 : i32
    %dma_start3A_191 = arith.constant 1 : i32
    %dma_start3A_192 = arith.constant 0 : i32
    %dma_start3A_193 = arith.constant 0 : i32
    %dma_start3A_194 = tpu.memref_slice %arg7[%dma_start3A_188, %dma_start3A_192, %dma_start3A_193] : memref<3x80x128xf32, #tpu.memory_space<vmem>> -> memref<1x80x128xf32, #tpu.memory_space<vmem>>
    %dma_start3A_195 = tpu.memref_squeeze %dma_start3A_194 : memref<1x80x128xf32, #tpu.memory_space<vmem>> -> memref<80x128xf32, #tpu.memory_space<vmem>>
    %dma_start3A_196 = arith.constant 0 : i32
    %dma_start3A_197 = tpu.memref_slice %arg6[%dma_start3A_189, %dma_start3A_190, %dma_start3A_196] : memref<3x1x80xi32, #tpu.memory_space<vmem>> -> memref<1x1x80xi32, #tpu.memory_space<vmem>>
    %dma_start3A_198 = tpu.memref_squeeze %dma_start3A_197 : memref<1x1x80xi32, #tpu.memory_space<vmem>> -> memref<80xi32, #tpu.memory_space<vmem>>
    %dma_start3A_199 = arith.constant 0 : i32
    %dma_start3A_200 = arith.constant 0 : i32
    %dma_start3A_201 = tpu.memref_slice %arg8[%dma_start3A_199, %dma_start3A_200] : memref<10240x128xf32, #tpu.memory_space<vmem_shared>> -> memref<10240x128xf32, #tpu.memory_space<vmem_shared>>
    %dma_start3A_202 = tpu.memref_slice %arg11[%dma_start3A_191] : memref<3x!tpu.dma_semaphore, #tpu.memory_space<semaphore_mem>> -> memref<1x!tpu.dma_semaphore, #tpu.memory_space<semaphore_mem>>
    %dma_start3A_203 = tpu.memref_squeeze %dma_start3A_202 : memref<1x!tpu.dma_semaphore, #tpu.memory_space<semaphore_mem>> -> memref<!tpu.dma_semaphore, #tpu.memory_space<semaphore_mem>>
    tpu.enqueue_indirect_dma source(%dma_start3A_195 : memref<80x128xf32, #tpu.memory_space<vmem>>) target(%dma_start3A_201 : memref<10240x128xf32, #tpu.memory_space<vmem_shared>>) offsets(%dma_start3A_198 : memref<80xi32, #tpu.memory_space<vmem>>) semaphore(%dma_start3A_203 : memref<!tpu.dma_semaphore, #tpu.memory_space<semaphore_mem>>) {add = true}
    %dma_wait3A_204 = arith.constant 0 : i32
    %dma_wait3A_205 = arith.constant 0 : i32
    %dma_wait3A_206 = arith.constant 0 : i32
    %dma_wait3A_207 = arith.constant 0 : i32
    %dma_wait3A_208 = tpu.memref_slice %arg7[%dma_wait3A_204, %dma_wait3A_206, %dma_wait3A_207] : memref<3x80x128xf32, #tpu.memory_space<vmem>> -> memref<1x80x128xf32, #tpu.memory_space<vmem>>
    %dma_wait3A_209 = tpu.memref_squeeze %dma_wait3A_208 : memref<1x80x128xf32, #tpu.memory_space<vmem>> -> memref<80x128xf32, #tpu.memory_space<vmem>>
    %dma_wait3A_210 = arith.constant 0 : i32
    %dma_wait3A_211 = arith.constant 0 : i32
    %dma_wait3A_212 = tpu.memref_slice %arg2[%dma_wait3A_210, %dma_wait3A_211] : memref<10000x128xf32, #tpu.memory_space<hbm>> -> memref<80x128xf32, #tpu.memory_space<hbm>>
    %dma_wait3A_213 = tpu.memref_slice %arg11[%dma_wait3A_205] : memref<3x!tpu.dma_semaphore, #tpu.memory_space<semaphore_mem>> -> memref<1x!tpu.dma_semaphore, #tpu.memory_space<semaphore_mem>>
    %dma_wait3A_214 = tpu.memref_squeeze %dma_wait3A_213 : memref<1x!tpu.dma_semaphore, #tpu.memory_space<semaphore_mem>> -> memref<!tpu.dma_semaphore, #tpu.memory_space<semaphore_mem>>
    %dma_wait3A_215 = arith.constant 0 : i32
    %dma_wait3A_216 = arith.constant 0 : i32
    %dma_wait3A_217 = tpu.memref_slice %arg7[%dma_wait3A_204, %dma_wait3A_215, %dma_wait3A_216] : memref<3x80x128xf32, #tpu.memory_space<vmem>> -> memref<1x80x128xf32, #tpu.memory_space<vmem>>
    %dma_wait3A_218 = tpu.memref_squeeze %dma_wait3A_217 : memref<1x80x128xf32, #tpu.memory_space<vmem>> -> memref<80x128xf32, #tpu.memory_space<vmem>>
    %dma_wait3A_219 = arith.constant 0 : i32
    %dma_wait3A_220 = arith.constant 0 : i32
    %dma_wait3A_221 = tpu.memref_slice %arg2[%dma_wait3A_219, %dma_wait3A_220] : memref<10000x128xf32, #tpu.memory_space<hbm>> -> memref<80x128xf32, #tpu.memory_space<hbm>>
    tpu.wait_dma2 semaphore(%dma_wait3A_214 : memref<!tpu.dma_semaphore, #tpu.memory_space<semaphore_mem>>) src(%dma_wait3A_221 : memref<80x128xf32, #tpu.memory_space<hbm>>) dst(%dma_wait3A_218 : memref<80x128xf32, #tpu.memory_space<vmem>>)
    %add3A_222 = arith.constant 320000 : i32
    %add3A_223 = arith.addi %add3A_222, %mul3A_4 : i32
    %add3A_224 = arith.constant 240 : i32
    %add3A_225 = arith.addi %add3A_223, %add3A_224 : i32
    %dma_start3A_226 = arith.constant 0 : i32
    %dma_start3A_227 = arith.constant 0 : i32
    %dma_start3A_228 = arith.constant 0 : i32
    %dma_start3A_229 = arith.constant 0 : i32
    %dma_start3A_230 = tpu.memref_slice %arg6[%dma_start3A_226, %dma_start3A_227, %dma_start3A_229] : memref<3x1x80xi32, #tpu.memory_space<vmem>> -> memref<1x1x80xi32, #tpu.memory_space<vmem>>
    %dma_start3A_231 = tpu.memref_squeeze %dma_start3A_230 : memref<1x1x80xi32, #tpu.memory_space<vmem>> -> memref<80xi32, #tpu.memory_space<vmem>>
    %dma_start3A_232 = tpu.memref_slice %arg3[%add3A_225] : memref<640000xi32, #tpu.memory_space<hbm>> -> memref<80xi32, #tpu.memory_space<hbm>>
    %dma_start3A_233 = tpu.memref_slice %arg9[%dma_start3A_228] : memref<3x!tpu.dma_semaphore, #tpu.memory_space<semaphore_mem>> -> memref<1x!tpu.dma_semaphore, #tpu.memory_space<semaphore_mem>>
    %dma_start3A_234 = tpu.memref_squeeze %dma_start3A_233 : memref<1x!tpu.dma_semaphore, #tpu.memory_space<semaphore_mem>> -> memref<!tpu.dma_semaphore, #tpu.memory_space<semaphore_mem>>
    %dma_start3A_235 = arith.constant 0 : i32
    %dma_start3A_236 = tpu.memref_slice %arg6[%dma_start3A_226, %dma_start3A_227, %dma_start3A_235] : memref<3x1x80xi32, #tpu.memory_space<vmem>> -> memref<1x1x80xi32, #tpu.memory_space<vmem>>
    %dma_start3A_237 = tpu.memref_squeeze %dma_start3A_236 : memref<1x1x80xi32, #tpu.memory_space<vmem>> -> memref<80xi32, #tpu.memory_space<vmem>>
    %dma_start3A_238 = tpu.memref_slice %arg3[%add3A_225] : memref<640000xi32, #tpu.memory_space<hbm>> -> memref<80xi32, #tpu.memory_space<hbm>>
    tpu.enqueue_dma source(%dma_start3A_238 : memref<80xi32, #tpu.memory_space<hbm>>) target(%dma_start3A_237 : memref<80xi32, #tpu.memory_space<vmem>>) target_semaphore(%dma_start3A_234 : memref<!tpu.dma_semaphore, #tpu.memory_space<semaphore_mem>>)
    %dma_start3A_239 = arith.constant 0 : i32
    %dma_start3A_240 = arith.constant 0 : i32
    %dma_start3A_241 = arith.constant 0 : i32
    %dma_start3A_242 = arith.constant 0 : i32
    %dma_start3A_243 = tpu.memref_slice %arg7[%dma_start3A_239, %dma_start3A_241, %dma_start3A_242] : memref<3x80x128xf32, #tpu.memory_space<vmem>> -> memref<1x80x128xf32, #tpu.memory_space<vmem>>
    %dma_start3A_244 = tpu.memref_squeeze %dma_start3A_243 : memref<1x80x128xf32, #tpu.memory_space<vmem>> -> memref<80x128xf32, #tpu.memory_space<vmem>>
    %dma_start3A_245 = arith.constant 240 : i32
    %dma_start3A_246 = tpu.memref_slice %arg5[%dma_start3A_245] : memref<10000xi32, #tpu.memory_space<vmem>> -> memref<80xi32, #tpu.memory_space<vmem>>
    %dma_start3A_247 = arith.constant 0 : i32
    %dma_start3A_248 = arith.constant 0 : i32
    %dma_start3A_249 = tpu.memref_slice %arg2[%dma_start3A_247, %dma_start3A_248] : memref<10000x128xf32, #tpu.memory_space<hbm>> -> memref<10000x128xf32, #tpu.memory_space<hbm>>
    %dma_start3A_250 = tpu.memref_slice %arg10[%dma_start3A_240] : memref<3x!tpu.dma_semaphore, #tpu.memory_space<semaphore_mem>> -> memref<1x!tpu.dma_semaphore, #tpu.memory_space<semaphore_mem>>
    %dma_start3A_251 = tpu.memref_squeeze %dma_start3A_250 : memref<1x!tpu.dma_semaphore, #tpu.memory_space<semaphore_mem>> -> memref<!tpu.dma_semaphore, #tpu.memory_space<semaphore_mem>>
    tpu.enqueue_indirect_dma source(%dma_start3A_249 : memref<10000x128xf32, #tpu.memory_space<hbm>>) target(%dma_start3A_244 : memref<80x128xf32, #tpu.memory_space<vmem>>) offsets(%dma_start3A_246 : memref<80xi32, #tpu.memory_space<vmem>>) semaphore(%dma_start3A_251 : memref<!tpu.dma_semaphore, #tpu.memory_space<semaphore_mem>>)
    %dma_wait3A_252 = arith.constant 2 : i32
    %dma_wait3A_253 = arith.constant 0 : i32
    %dma_wait3A_254 = arith.constant 2 : i32
    %dma_wait3A_255 = arith.constant 0 : i32
    %dma_wait3A_256 = tpu.memref_slice %arg6[%dma_wait3A_252, %dma_wait3A_253, %dma_wait3A_255] : memref<3x1x80xi32, #tpu.memory_space<vmem>> -> memref<1x1x80xi32, #tpu.memory_space<vmem>>
    %dma_wait3A_257 = tpu.memref_squeeze %dma_wait3A_256 : memref<1x1x80xi32, #tpu.memory_space<vmem>> -> memref<80xi32, #tpu.memory_space<vmem>>
    %dma_wait3A_258 = arith.constant 0 : i32
    %dma_wait3A_259 = tpu.memref_slice %arg3[%dma_wait3A_258] : memref<640000xi32, #tpu.memory_space<hbm>> -> memref<80xi32, #tpu.memory_space<hbm>>
    %dma_wait3A_260 = tpu.memref_slice %arg9[%dma_wait3A_254] : memref<3x!tpu.dma_semaphore, #tpu.memory_space<semaphore_mem>> -> memref<1x!tpu.dma_semaphore, #tpu.memory_space<semaphore_mem>>
    %dma_wait3A_261 = tpu.memref_squeeze %dma_wait3A_260 : memref<1x!tpu.dma_semaphore, #tpu.memory_space<semaphore_mem>> -> memref<!tpu.dma_semaphore, #tpu.memory_space<semaphore_mem>>
    %dma_wait3A_262 = arith.constant 0 : i32
    %dma_wait3A_263 = tpu.memref_slice %arg6[%dma_wait3A_252, %dma_wait3A_253, %dma_wait3A_262] : memref<3x1x80xi32, #tpu.memory_space<vmem>> -> memref<1x1x80xi32, #tpu.memory_space<vmem>>
    %dma_wait3A_264 = tpu.memref_squeeze %dma_wait3A_263 : memref<1x1x80xi32, #tpu.memory_space<vmem>> -> memref<80xi32, #tpu.memory_space<vmem>>
    %dma_wait3A_265 = arith.constant 0 : i32
    %dma_wait3A_266 = tpu.memref_slice %arg3[%dma_wait3A_265] : memref<640000xi32, #tpu.memory_space<hbm>> -> memref<80xi32, #tpu.memory_space<hbm>>
    tpu.wait_dma2 semaphore(%dma_wait3A_261 : memref<!tpu.dma_semaphore, #tpu.memory_space<semaphore_mem>>) src(%dma_wait3A_266 : memref<80xi32, #tpu.memory_space<hbm>>) dst(%dma_wait3A_264 : memref<80xi32, #tpu.memory_space<vmem>>)
    %dma_wait3A_267 = arith.constant 2 : i32
    %dma_wait3A_268 = arith.constant 2 : i32
    %dma_wait3A_269 = arith.constant 0 : i32
    %dma_wait3A_270 = arith.constant 0 : i32
    %dma_wait3A_271 = tpu.memref_slice %arg7[%dma_wait3A_267, %dma_wait3A_269, %dma_wait3A_270] : memref<3x80x128xf32, #tpu.memory_space<vmem>> -> memref<1x80x128xf32, #tpu.memory_space<vmem>>
    %dma_wait3A_272 = tpu.memref_squeeze %dma_wait3A_271 : memref<1x80x128xf32, #tpu.memory_space<vmem>> -> memref<80x128xf32, #tpu.memory_space<vmem>>
    %dma_wait3A_273 = arith.constant 0 : i32
    %dma_wait3A_274 = arith.constant 0 : i32
    %dma_wait3A_275 = tpu.memref_slice %arg2[%dma_wait3A_273, %dma_wait3A_274] : memref<10000x128xf32, #tpu.memory_space<hbm>> -> memref<80x128xf32, #tpu.memory_space<hbm>>
    %dma_wait3A_276 = tpu.memref_slice %arg10[%dma_wait3A_268] : memref<3x!tpu.dma_semaphore, #tpu.memory_space<semaphore_mem>> -> memref<1x!tpu.dma_semaphore, #tpu.memory_space<semaphore_mem>>
    %dma_wait3A_277 = tpu.memref_squeeze %dma_wait3A_276 : memref<1x!tpu.dma_semaphore, #tpu.memory_space<semaphore_mem>> -> memref<!tpu.dma_semaphore, #tpu.memory_space<semaphore_mem>>
    %dma_wait3A_278 = arith.constant 0 : i32
    %dma_wait3A_279 = arith.constant 0 : i32
    %dma_wait3A_280 = tpu.memref_slice %arg7[%dma_wait3A_267, %dma_wait3A_278, %dma_wait3A_279] : memref<3x80x128xf32, #tpu.memory_space<vmem>> -> memref<1x80x128xf32, #tpu.memory_space<vmem>>
    %dma_wait3A_281 = tpu.memref_squeeze %dma_wait3A_280 : memref<1x80x128xf32, #tpu.memory_space<vmem>> -> memref<80x128xf32, #tpu.memory_space<vmem>>
    %dma_wait3A_282 = arith.constant 0 : i32
    %dma_wait3A_283 = arith.constant 0 : i32
    %dma_wait3A_284 = tpu.memref_slice %arg2[%dma_wait3A_282, %dma_wait3A_283] : memref<10000x128xf32, #tpu.memory_space<hbm>> -> memref<80x128xf32, #tpu.memory_space<hbm>>
    tpu.wait_dma2 semaphore(%dma_wait3A_277 : memref<!tpu.dma_semaphore, #tpu.memory_space<semaphore_mem>>) src(%dma_wait3A_284 : memref<80x128xf32, #tpu.memory_space<hbm>>) dst(%dma_wait3A_281 : memref<80x128xf32, #tpu.memory_space<vmem>>)
    %dma_start3A_285 = arith.constant 2 : i32
    %dma_start3A_286 = arith.constant 2 : i32
    %dma_start3A_287 = arith.constant 0 : i32
    %dma_start3A_288 = arith.constant 2 : i32
    %dma_start3A_289 = arith.constant 0 : i32
    %dma_start3A_290 = arith.constant 0 : i32
    %dma_start3A_291 = tpu.memref_slice %arg7[%dma_start3A_285, %dma_start3A_289, %dma_start3A_290] : memref<3x80x128xf32, #tpu.memory_space<vmem>> -> memref<1x80x128xf32, #tpu.memory_space<vmem>>
    %dma_start3A_292 = tpu.memref_squeeze %dma_start3A_291 : memref<1x80x128xf32, #tpu.memory_space<vmem>> -> memref<80x128xf32, #tpu.memory_space<vmem>>
    %dma_start3A_293 = arith.constant 0 : i32
    %dma_start3A_294 = tpu.memref_slice %arg6[%dma_start3A_286, %dma_start3A_287, %dma_start3A_293] : memref<3x1x80xi32, #tpu.memory_space<vmem>> -> memref<1x1x80xi32, #tpu.memory_space<vmem>>
    %dma_start3A_295 = tpu.memref_squeeze %dma_start3A_294 : memref<1x1x80xi32, #tpu.memory_space<vmem>> -> memref<80xi32, #tpu.memory_space<vmem>>
    %dma_start3A_296 = arith.constant 0 : i32
    %dma_start3A_297 = arith.constant 0 : i32
    %dma_start3A_298 = tpu.memref_slice %arg8[%dma_start3A_296, %dma_start3A_297] : memref<10240x128xf32, #tpu.memory_space<vmem_shared>> -> memref<10240x128xf32, #tpu.memory_space<vmem_shared>>
    %dma_start3A_299 = tpu.memref_slice %arg11[%dma_start3A_288] : memref<3x!tpu.dma_semaphore, #tpu.memory_space<semaphore_mem>> -> memref<1x!tpu.dma_semaphore, #tpu.memory_space<semaphore_mem>>
    %dma_start3A_300 = tpu.memref_squeeze %dma_start3A_299 : memref<1x!tpu.dma_semaphore, #tpu.memory_space<semaphore_mem>> -> memref<!tpu.dma_semaphore, #tpu.memory_space<semaphore_mem>>
    tpu.enqueue_indirect_dma source(%dma_start3A_292 : memref<80x128xf32, #tpu.memory_space<vmem>>) target(%dma_start3A_298 : memref<10240x128xf32, #tpu.memory_space<vmem_shared>>) offsets(%dma_start3A_295 : memref<80xi32, #tpu.memory_space<vmem>>) semaphore(%dma_start3A_300 : memref<!tpu.dma_semaphore, #tpu.memory_space<semaphore_mem>>) {add = true}
    %dma_wait3A_301 = arith.constant 1 : i32
    %dma_wait3A_302 = arith.constant 1 : i32
    %dma_wait3A_303 = arith.constant 0 : i32
    %dma_wait3A_304 = arith.constant 0 : i32
    %dma_wait3A_305 = tpu.memref_slice %arg7[%dma_wait3A_301, %dma_wait3A_303, %dma_wait3A_304] : memref<3x80x128xf32, #tpu.memory_space<vmem>> -> memref<1x80x128xf32, #tpu.memory_space<vmem>>
    %dma_wait3A_306 = tpu.memref_squeeze %dma_wait3A_305 : memref<1x80x128xf32, #tpu.memory_space<vmem>> -> memref<80x128xf32, #tpu.memory_space<vmem>>
    %dma_wait3A_307 = arith.constant 0 : i32
    %dma_wait3A_308 = arith.constant 0 : i32
    %dma_wait3A_309 = tpu.memref_slice %arg2[%dma_wait3A_307, %dma_wait3A_308] : memref<10000x128xf32, #tpu.memory_space<hbm>> -> memref<80x128xf32, #tpu.memory_space<hbm>>
    %dma_wait3A_310 = tpu.memref_slice %arg11[%dma_wait3A_302] : memref<3x!tpu.dma_semaphore, #tpu.memory_space<semaphore_mem>> -> memref<1x!tpu.dma_semaphore, #tpu.memory_space<semaphore_mem>>
    %dma_wait3A_311 = tpu.memref_squeeze %dma_wait3A_310 : memref<1x!tpu.dma_semaphore, #tpu.memory_space<semaphore_mem>> -> memref<!tpu.dma_semaphore, #tpu.memory_space<semaphore_mem>>
    %dma_wait3A_312 = arith.constant 0 : i32
    %dma_wait3A_313 = arith.constant 0 : i32
    %dma_wait3A_314 = tpu.memref_slice %arg7[%dma_wait3A_301, %dma_wait3A_312, %dma_wait3A_313] : memref<3x80x128xf32, #tpu.memory_space<vmem>> -> memref<1x80x128xf32, #tpu.memory_space<vmem>>
    %dma_wait3A_315 = tpu.memref_squeeze %dma_wait3A_314 : memref<1x80x128xf32, #tpu.memory_space<vmem>> -> memref<80x128xf32, #tpu.memory_space<vmem>>
    %dma_wait3A_316 = arith.constant 0 : i32
    %dma_wait3A_317 = arith.constant 0 : i32
    %dma_wait3A_318 = tpu.memref_slice %arg2[%dma_wait3A_316, %dma_wait3A_317] : memref<10000x128xf32, #tpu.memory_space<hbm>> -> memref<80x128xf32, #tpu.memory_space<hbm>>
    tpu.wait_dma2 semaphore(%dma_wait3A_311 : memref<!tpu.dma_semaphore, #tpu.memory_space<semaphore_mem>>) src(%dma_wait3A_318 : memref<80x128xf32, #tpu.memory_space<hbm>>) dst(%dma_wait3A_315 : memref<80x128xf32, #tpu.memory_space<vmem>>)
    %add3A_319 = arith.constant 320000 : i32
    %add3A_320 = arith.addi %add3A_319, %mul3A_4 : i32
    %add3A_321 = arith.constant 320 : i32
    %add3A_322 = arith.addi %add3A_320, %add3A_321 : i32
    %dma_start3A_323 = arith.constant 1 : i32
    %dma_start3A_324 = arith.constant 0 : i32
    %dma_start3A_325 = arith.constant 1 : i32
    %dma_start3A_326 = arith.constant 0 : i32
    %dma_start3A_327 = tpu.memref_slice %arg6[%dma_start3A_323, %dma_start3A_324, %dma_start3A_326] : memref<3x1x80xi32, #tpu.memory_space<vmem>> -> memref<1x1x80xi32, #tpu.memory_space<vmem>>
    %dma_start3A_328 = tpu.memref_squeeze %dma_start3A_327 : memref<1x1x80xi32, #tpu.memory_space<vmem>> -> memref<80xi32, #tpu.memory_space<vmem>>
    %dma_start3A_329 = tpu.memref_slice %arg3[%add3A_322] : memref<640000xi32, #tpu.memory_space<hbm>> -> memref<80xi32, #tpu.memory_space<hbm>>
    %dma_start3A_330 = tpu.memref_slice %arg9[%dma_start3A_325] : memref<3x!tpu.dma_semaphore, #tpu.memory_space<semaphore_mem>> -> memref<1x!tpu.dma_semaphore, #tpu.memory_space<semaphore_mem>>
    %dma_start3A_331 = tpu.memref_squeeze %dma_start3A_330 : memref<1x!tpu.dma_semaphore, #tpu.memory_space<semaphore_mem>> -> memref<!tpu.dma_semaphore, #tpu.memory_space<semaphore_mem>>
    %dma_start3A_332 = arith.constant 0 : i32
    %dma_start3A_333 = tpu.memref_slice %arg6[%dma_start3A_323, %dma_start3A_324, %dma_start3A_332] : memref<3x1x80xi32, #tpu.memory_space<vmem>> -> memref<1x1x80xi32, #tpu.memory_space<vmem>>
    %dma_start3A_334 = tpu.memref_squeeze %dma_start3A_333 : memref<1x1x80xi32, #tpu.memory_space<vmem>> -> memref<80xi32, #tpu.memory_space<vmem>>
    %dma_start3A_335 = tpu.memref_slice %arg3[%add3A_322] : memref<640000xi32, #tpu.memory_space<hbm>> -> memref<80xi32, #tpu.memory_space<hbm>>
    tpu.enqueue_dma source(%dma_start3A_335 : memref<80xi32, #tpu.memory_space<hbm>>) target(%dma_start3A_334 : memref<80xi32, #tpu.memory_space<vmem>>) target_semaphore(%dma_start3A_331 : memref<!tpu.dma_semaphore, #tpu.memory_space<semaphore_mem>>)
    %dma_start3A_336 = arith.constant 1 : i32
    %dma_start3A_337 = arith.constant 1 : i32
    %dma_start3A_338 = arith.constant 0 : i32
    %dma_start3A_339 = arith.constant 0 : i32
    %dma_start3A_340 = tpu.memref_slice %arg7[%dma_start3A_336, %dma_start3A_338, %dma_start3A_339] : memref<3x80x128xf32, #tpu.memory_space<vmem>> -> memref<1x80x128xf32, #tpu.memory_space<vmem>>
    %dma_start3A_341 = tpu.memref_squeeze %dma_start3A_340 : memref<1x80x128xf32, #tpu.memory_space<vmem>> -> memref<80x128xf32, #tpu.memory_space<vmem>>
    %dma_start3A_342 = arith.constant 320 : i32
    %dma_start3A_343 = tpu.memref_slice %arg5[%dma_start3A_342] : memref<10000xi32, #tpu.memory_space<vmem>> -> memref<80xi32, #tpu.memory_space<vmem>>
    %dma_start3A_344 = arith.constant 0 : i32
    %dma_start3A_345 = arith.constant 0 : i32
    %dma_start3A_346 = tpu.memref_slice %arg2[%dma_start3A_344, %dma_start3A_345] : memref<10000x128xf32, #tpu.memory_space<hbm>> -> memref<10000x128xf32, #tpu.memory_space<hbm>>
    %dma_start3A_347 = tpu.memref_slice %arg10[%dma_start3A_337] : memref<3x!tpu.dma_semaphore, #tpu.memory_space<semaphore_mem>> -> memref<1x!tpu.dma_semaphore, #tpu.memory_space<semaphore_mem>>
    %dma_start3A_348 = tpu.memref_squeeze %dma_start3A_347 : memref<1x!tpu.dma_semaphore, #tpu.memory_space<semaphore_mem>> -> memref<!tpu.dma_semaphore, #tpu.memory_space<semaphore_mem>>
    tpu.enqueue_indirect_dma source(%dma_start3A_346 : memref<10000x128xf32, #tpu.memory_space<hbm>>) target(%dma_start3A_341 : memref<80x128xf32, #tpu.memory_space<vmem>>) offsets(%dma_start3A_343 : memref<80xi32, #tpu.memory_space<vmem>>) semaphore(%dma_start3A_348 : memref<!tpu.dma_semaphore, #tpu.memory_space<semaphore_mem>>)
    %scan3A_349 = arith.constant 0 : i32
    %scan3A_350 = arith.constant 40 : i32
    %scan3A_351 = arith.addi %scan3A_349, %scan3A_350 : i32
    %scan3A_352 = arith.constant 1 : i32
    scf.for %scan3A_507 = %scan3A_349 to %scan3A_351 step %scan3A_352  : i32 {
      %mul3A_508 = arith.constant 3 : i32
      %mul3A_509 = arith.muli %scan3A_507, %mul3A_508 : i32
      %add3A_510 = arith.constant 3 : i32
      %add3A_511 = arith.addi %add3A_510, %mul3A_509 : i32
      %add3A_512 = arith.constant 0 : i32
      %add3A_513 = arith.addi %add3A_511, %add3A_512 : i32
      %dma_wait3A_514 = arith.constant 0 : i32
      %dma_wait3A_515 = arith.constant 0 : i32
      %dma_wait3A_516 = arith.constant 0 : i32
      %dma_wait3A_517 = arith.constant 0 : i32
      %dma_wait3A_518 = tpu.memref_slice %arg6[%dma_wait3A_514, %dma_wait3A_515, %dma_wait3A_517] : memref<3x1x80xi32, #tpu.memory_space<vmem>> -> memref<1x1x80xi32, #tpu.memory_space<vmem>>
      %dma_wait3A_519 = tpu.memref_squeeze %dma_wait3A_518 : memref<1x1x80xi32, #tpu.memory_space<vmem>> -> memref<80xi32, #tpu.memory_space<vmem>>
      %dma_wait3A_520 = arith.constant 0 : i32
      %dma_wait3A_521 = tpu.memref_slice %arg3[%dma_wait3A_520] : memref<640000xi32, #tpu.memory_space<hbm>> -> memref<80xi32, #tpu.memory_space<hbm>>
      %dma_wait3A_522 = tpu.memref_slice %arg9[%dma_wait3A_516] : memref<3x!tpu.dma_semaphore, #tpu.memory_space<semaphore_mem>> -> memref<1x!tpu.dma_semaphore, #tpu.memory_space<semaphore_mem>>
      %dma_wait3A_523 = tpu.memref_squeeze %dma_wait3A_522 : memref<1x!tpu.dma_semaphore, #tpu.memory_space<semaphore_mem>> -> memref<!tpu.dma_semaphore, #tpu.memory_space<semaphore_mem>>
      %dma_wait3A_524 = arith.constant 0 : i32
      %dma_wait3A_525 = tpu.memref_slice %arg6[%dma_wait3A_514, %dma_wait3A_515, %dma_wait3A_524] : memref<3x1x80xi32, #tpu.memory_space<vmem>> -> memref<1x1x80xi32, #tpu.memory_space<vmem>>
      %dma_wait3A_526 = tpu.memref_squeeze %dma_wait3A_525 : memref<1x1x80xi32, #tpu.memory_space<vmem>> -> memref<80xi32, #tpu.memory_space<vmem>>
      %dma_wait3A_527 = arith.constant 0 : i32
      %dma_wait3A_528 = tpu.memref_slice %arg3[%dma_wait3A_527] : memref<640000xi32, #tpu.memory_space<hbm>> -> memref<80xi32, #tpu.memory_space<hbm>>
      tpu.wait_dma2 semaphore(%dma_wait3A_523 : memref<!tpu.dma_semaphore, #tpu.memory_space<semaphore_mem>>) src(%dma_wait3A_528 : memref<80xi32, #tpu.memory_space<hbm>>) dst(%dma_wait3A_526 : memref<80xi32, #tpu.memory_space<vmem>>)
      %dma_wait3A_529 = arith.constant 0 : i32
      %dma_wait3A_530 = arith.constant 0 : i32
      %dma_wait3A_531 = arith.constant 0 : i32
      %dma_wait3A_532 = arith.constant 0 : i32
      %dma_wait3A_533 = tpu.memref_slice %arg7[%dma_wait3A_529, %dma_wait3A_531, %dma_wait3A_532] : memref<3x80x128xf32, #tpu.memory_space<vmem>> -> memref<1x80x128xf32, #tpu.memory_space<vmem>>
      %dma_wait3A_534 = tpu.memref_squeeze %dma_wait3A_533 : memref<1x80x128xf32, #tpu.memory_space<vmem>> -> memref<80x128xf32, #tpu.memory_space<vmem>>
      %dma_wait3A_535 = arith.constant 0 : i32
      %dma_wait3A_536 = arith.constant 0 : i32
      %dma_wait3A_537 = tpu.memref_slice %arg2[%dma_wait3A_535, %dma_wait3A_536] : memref<10000x128xf32, #tpu.memory_space<hbm>> -> memref<80x128xf32, #tpu.memory_space<hbm>>
      %dma_wait3A_538 = tpu.memref_slice %arg10[%dma_wait3A_530] : memref<3x!tpu.dma_semaphore, #tpu.memory_space<semaphore_mem>> -> memref<1x!tpu.dma_semaphore, #tpu.memory_space<semaphore_mem>>
      %dma_wait3A_539 = tpu.memref_squeeze %dma_wait3A_538 : memref<1x!tpu.dma_semaphore, #tpu.memory_space<semaphore_mem>> -> memref<!tpu.dma_semaphore, #tpu.memory_space<semaphore_mem>>
      %dma_wait3A_540 = arith.constant 0 : i32
      %dma_wait3A_541 = arith.constant 0 : i32
      %dma_wait3A_542 = tpu.memref_slice %arg7[%dma_wait3A_529, %dma_wait3A_540, %dma_wait3A_541] : memref<3x80x128xf32, #tpu.memory_space<vmem>> -> memref<1x80x128xf32, #tpu.memory_space<vmem>>
      %dma_wait3A_543 = tpu.memref_squeeze %dma_wait3A_542 : memref<1x80x128xf32, #tpu.memory_space<vmem>> -> memref<80x128xf32, #tpu.memory_space<vmem>>
      %dma_wait3A_544 = arith.constant 0 : i32
      %dma_wait3A_545 = arith.constant 0 : i32
      %dma_wait3A_546 = tpu.memref_slice %arg2[%dma_wait3A_544, %dma_wait3A_545] : memref<10000x128xf32, #tpu.memory_space<hbm>> -> memref<80x128xf32, #tpu.memory_space<hbm>>
      tpu.wait_dma2 semaphore(%dma_wait3A_539 : memref<!tpu.dma_semaphore, #tpu.memory_space<semaphore_mem>>) src(%dma_wait3A_546 : memref<80x128xf32, #tpu.memory_space<hbm>>) dst(%dma_wait3A_543 : memref<80x128xf32, #tpu.memory_space<vmem>>)
      %dma_start3A_547 = arith.constant 0 : i32
      %dma_start3A_548 = arith.constant 0 : i32
      %dma_start3A_549 = arith.constant 0 : i32
      %dma_start3A_550 = arith.constant 0 : i32
      %dma_start3A_551 = arith.constant 0 : i32
      %dma_start3A_552 = arith.constant 0 : i32
      %dma_start3A_553 = tpu.memref_slice %arg7[%dma_start3A_547, %dma_start3A_551, %dma_start3A_552] : memref<3x80x128xf32, #tpu.memory_space<vmem>> -> memref<1x80x128xf32, #tpu.memory_space<vmem>>
      %dma_start3A_554 = tpu.memref_squeeze %dma_start3A_553 : memref<1x80x128xf32, #tpu.memory_space<vmem>> -> memref<80x128xf32, #tpu.memory_space<vmem>>
      %dma_start3A_555 = arith.constant 0 : i32
      %dma_start3A_556 = tpu.memref_slice %arg6[%dma_start3A_548, %dma_start3A_549, %dma_start3A_555] : memref<3x1x80xi32, #tpu.memory_space<vmem>> -> memref<1x1x80xi32, #tpu.memory_space<vmem>>
      %dma_start3A_557 = tpu.memref_squeeze %dma_start3A_556 : memref<1x1x80xi32, #tpu.memory_space<vmem>> -> memref<80xi32, #tpu.memory_space<vmem>>
      %dma_start3A_558 = arith.constant 0 : i32
      %dma_start3A_559 = arith.constant 0 : i32
      %dma_start3A_560 = tpu.memref_slice %arg8[%dma_start3A_558, %dma_start3A_559] : memref<10240x128xf32, #tpu.memory_space<vmem_shared>> -> memref<10240x128xf32, #tpu.memory_space<vmem_shared>>
      %dma_start3A_561 = tpu.memref_slice %arg11[%dma_start3A_550] : memref<3x!tpu.dma_semaphore, #tpu.memory_space<semaphore_mem>> -> memref<1x!tpu.dma_semaphore, #tpu.memory_space<semaphore_mem>>
      %dma_start3A_562 = tpu.memref_squeeze %dma_start3A_561 : memref<1x!tpu.dma_semaphore, #tpu.memory_space<semaphore_mem>> -> memref<!tpu.dma_semaphore, #tpu.memory_space<semaphore_mem>>
      tpu.enqueue_indirect_dma source(%dma_start3A_554 : memref<80x128xf32, #tpu.memory_space<vmem>>) target(%dma_start3A_560 : memref<10240x128xf32, #tpu.memory_space<vmem_shared>>) offsets(%dma_start3A_557 : memref<80xi32, #tpu.memory_space<vmem>>) semaphore(%dma_start3A_562 : memref<!tpu.dma_semaphore, #tpu.memory_space<semaphore_mem>>) {add = true}
      %dma_wait3A_563 = arith.constant 2 : i32
      %dma_wait3A_564 = arith.constant 2 : i32
      %dma_wait3A_565 = arith.constant 0 : i32
      %dma_wait3A_566 = arith.constant 0 : i32
      %dma_wait3A_567 = tpu.memref_slice %arg7[%dma_wait3A_563, %dma_wait3A_565, %dma_wait3A_566] : memref<3x80x128xf32, #tpu.memory_space<vmem>> -> memref<1x80x128xf32, #tpu.memory_space<vmem>>
      %dma_wait3A_568 = tpu.memref_squeeze %dma_wait3A_567 : memref<1x80x128xf32, #tpu.memory_space<vmem>> -> memref<80x128xf32, #tpu.memory_space<vmem>>
      %dma_wait3A_569 = arith.constant 0 : i32
      %dma_wait3A_570 = arith.constant 0 : i32
      %dma_wait3A_571 = tpu.memref_slice %arg2[%dma_wait3A_569, %dma_wait3A_570] : memref<10000x128xf32, #tpu.memory_space<hbm>> -> memref<80x128xf32, #tpu.memory_space<hbm>>
      %dma_wait3A_572 = tpu.memref_slice %arg11[%dma_wait3A_564] : memref<3x!tpu.dma_semaphore, #tpu.memory_space<semaphore_mem>> -> memref<1x!tpu.dma_semaphore, #tpu.memory_space<semaphore_mem>>
      %dma_wait3A_573 = tpu.memref_squeeze %dma_wait3A_572 : memref<1x!tpu.dma_semaphore, #tpu.memory_space<semaphore_mem>> -> memref<!tpu.dma_semaphore, #tpu.memory_space<semaphore_mem>>
      %dma_wait3A_574 = arith.constant 0 : i32
      %dma_wait3A_575 = arith.constant 0 : i32
      %dma_wait3A_576 = tpu.memref_slice %arg7[%dma_wait3A_563, %dma_wait3A_574, %dma_wait3A_575] : memref<3x80x128xf32, #tpu.memory_space<vmem>> -> memref<1x80x128xf32, #tpu.memory_space<vmem>>
      %dma_wait3A_577 = tpu.memref_squeeze %dma_wait3A_576 : memref<1x80x128xf32, #tpu.memory_space<vmem>> -> memref<80x128xf32, #tpu.memory_space<vmem>>
      %dma_wait3A_578 = arith.constant 0 : i32
      %dma_wait3A_579 = arith.constant 0 : i32
      %dma_wait3A_580 = tpu.memref_slice %arg2[%dma_wait3A_578, %dma_wait3A_579] : memref<10000x128xf32, #tpu.memory_space<hbm>> -> memref<80x128xf32, #tpu.memory_space<hbm>>
      tpu.wait_dma2 semaphore(%dma_wait3A_573 : memref<!tpu.dma_semaphore, #tpu.memory_space<semaphore_mem>>) src(%dma_wait3A_580 : memref<80x128xf32, #tpu.memory_space<hbm>>) dst(%dma_wait3A_577 : memref<80x128xf32, #tpu.memory_space<vmem>>)
      %add3A_581 = arith.constant 2 : i32
      %add3A_582 = arith.addi %add3A_513, %add3A_581 : i32
      %add3A_583 = arith.constant 320000 : i32
      %add3A_584 = arith.addi %add3A_583, %mul3A_4 : i32
      %mul3A_585 = arith.constant 80 : i32
      %mul3A_586 = arith.muli %add3A_582, %mul3A_585 : i32
      %add3A_587 = arith.addi %add3A_584, %mul3A_586 : i32
      %dma_start3A_588 = arith.constant 2 : i32
      %dma_start3A_589 = arith.constant 0 : i32
      %dma_start3A_590 = arith.constant 2 : i32
      %dma_start3A_591 = arith.constant 0 : i32
      %dma_start3A_592 = tpu.memref_slice %arg6[%dma_start3A_588, %dma_start3A_589, %dma_start3A_591] : memref<3x1x80xi32, #tpu.memory_space<vmem>> -> memref<1x1x80xi32, #tpu.memory_space<vmem>>
      %dma_start3A_593 = tpu.memref_squeeze %dma_start3A_592 : memref<1x1x80xi32, #tpu.memory_space<vmem>> -> memref<80xi32, #tpu.memory_space<vmem>>
      %dma_start3A_594 = tpu.memref_slice %arg3[%add3A_587] : memref<640000xi32, #tpu.memory_space<hbm>> -> memref<80xi32, #tpu.memory_space<hbm>>
      %dma_start3A_595 = tpu.memref_slice %arg9[%dma_start3A_590] : memref<3x!tpu.dma_semaphore, #tpu.memory_space<semaphore_mem>> -> memref<1x!tpu.dma_semaphore, #tpu.memory_space<semaphore_mem>>
      %dma_start3A_596 = tpu.memref_squeeze %dma_start3A_595 : memref<1x!tpu.dma_semaphore, #tpu.memory_space<semaphore_mem>> -> memref<!tpu.dma_semaphore, #tpu.memory_space<semaphore_mem>>
      %dma_start3A_597 = arith.constant 0 : i32
      %dma_start3A_598 = tpu.memref_slice %arg6[%dma_start3A_588, %dma_start3A_589, %dma_start3A_597] : memref<3x1x80xi32, #tpu.memory_space<vmem>> -> memref<1x1x80xi32, #tpu.memory_space<vmem>>
      %dma_start3A_599 = tpu.memref_squeeze %dma_start3A_598 : memref<1x1x80xi32, #tpu.memory_space<vmem>> -> memref<80xi32, #tpu.memory_space<vmem>>
      %dma_start3A_600 = tpu.memref_slice %arg3[%add3A_587] : memref<640000xi32, #tpu.memory_space<hbm>> -> memref<80xi32, #tpu.memory_space<hbm>>
      tpu.enqueue_dma source(%dma_start3A_600 : memref<80xi32, #tpu.memory_space<hbm>>) target(%dma_start3A_599 : memref<80xi32, #tpu.memory_space<vmem>>) target_semaphore(%dma_start3A_596 : memref<!tpu.dma_semaphore, #tpu.memory_space<semaphore_mem>>)
      %mul3A_601 = arith.constant 80 : i32
      %mul3A_602 = arith.muli %add3A_582, %mul3A_601 : i32
      %dma_start3A_603 = arith.constant 2 : i32
      %dma_start3A_604 = arith.constant 2 : i32
      %dma_start3A_605 = arith.constant 0 : i32
      %dma_start3A_606 = arith.constant 0 : i32
      %dma_start3A_607 = tpu.memref_slice %arg7[%dma_start3A_603, %dma_start3A_605, %dma_start3A_606] : memref<3x80x128xf32, #tpu.memory_space<vmem>> -> memref<1x80x128xf32, #tpu.memory_space<vmem>>
      %dma_start3A_608 = tpu.memref_squeeze %dma_start3A_607 : memref<1x80x128xf32, #tpu.memory_space<vmem>> -> memref<80x128xf32, #tpu.memory_space<vmem>>
      %dma_start3A_609 = tpu.memref_slice %arg5[%mul3A_602] : memref<10000xi32, #tpu.memory_space<vmem>> -> memref<80xi32, #tpu.memory_space<vmem>>
      %dma_start3A_610 = arith.constant 0 : i32
      %dma_start3A_611 = arith.constant 0 : i32
      %dma_start3A_612 = tpu.memref_slice %arg2[%dma_start3A_610, %dma_start3A_611] : memref<10000x128xf32, #tpu.memory_space<hbm>> -> memref<10000x128xf32, #tpu.memory_space<hbm>>
      %dma_start3A_613 = tpu.memref_slice %arg10[%dma_start3A_604] : memref<3x!tpu.dma_semaphore, #tpu.memory_space<semaphore_mem>> -> memref<1x!tpu.dma_semaphore, #tpu.memory_space<semaphore_mem>>
      %dma_start3A_614 = tpu.memref_squeeze %dma_start3A_613 : memref<1x!tpu.dma_semaphore, #tpu.memory_space<semaphore_mem>> -> memref<!tpu.dma_semaphore, #tpu.memory_space<semaphore_mem>>
      tpu.enqueue_indirect_dma source(%dma_start3A_612 : memref<10000x128xf32, #tpu.memory_space<hbm>>) target(%dma_start3A_608 : memref<80x128xf32, #tpu.memory_space<vmem>>) offsets(%dma_start3A_609 : memref<80xi32, #tpu.memory_space<vmem>>) semaphore(%dma_start3A_614 : memref<!tpu.dma_semaphore, #tpu.memory_space<semaphore_mem>>)
      %add3A_615 = arith.constant 1 : i32
      %add3A_616 = arith.addi %add3A_511, %add3A_615 : i32
      %dma_wait3A_617 = arith.constant 1 : i32
      %dma_wait3A_618 = arith.constant 0 : i32
      %dma_wait3A_619 = arith.constant 1 : i32
      %dma_wait3A_620 = arith.constant 0 : i32
      %dma_wait3A_621 = tpu.memref_slice %arg6[%dma_wait3A_617, %dma_wait3A_618, %dma_wait3A_620] : memref<3x1x80xi32, #tpu.memory_space<vmem>> -> memref<1x1x80xi32, #tpu.memory_space<vmem>>
      %dma_wait3A_622 = tpu.memref_squeeze %dma_wait3A_621 : memref<1x1x80xi32, #tpu.memory_space<vmem>> -> memref<80xi32, #tpu.memory_space<vmem>>
      %dma_wait3A_623 = arith.constant 0 : i32
      %dma_wait3A_624 = tpu.memref_slice %arg3[%dma_wait3A_623] : memref<640000xi32, #tpu.memory_space<hbm>> -> memref<80xi32, #tpu.memory_space<hbm>>
      %dma_wait3A_625 = tpu.memref_slice %arg9[%dma_wait3A_619] : memref<3x!tpu.dma_semaphore, #tpu.memory_space<semaphore_mem>> -> memref<1x!tpu.dma_semaphore, #tpu.memory_space<semaphore_mem>>
      %dma_wait3A_626 = tpu.memref_squeeze %dma_wait3A_625 : memref<1x!tpu.dma_semaphore, #tpu.memory_space<semaphore_mem>> -> memref<!tpu.dma_semaphore, #tpu.memory_space<semaphore_mem>>
      %dma_wait3A_627 = arith.constant 0 : i32
      %dma_wait3A_628 = tpu.memref_slice %arg6[%dma_wait3A_617, %dma_wait3A_618, %dma_wait3A_627] : memref<3x1x80xi32, #tpu.memory_space<vmem>> -> memref<1x1x80xi32, #tpu.memory_space<vmem>>
      %dma_wait3A_629 = tpu.memref_squeeze %dma_wait3A_628 : memref<1x1x80xi32, #tpu.memory_space<vmem>> -> memref<80xi32, #tpu.memory_space<vmem>>
      %dma_wait3A_630 = arith.constant 0 : i32
      %dma_wait3A_631 = tpu.memref_slice %arg3[%dma_wait3A_630] : memref<640000xi32, #tpu.memory_space<hbm>> -> memref<80xi32, #tpu.memory_space<hbm>>
      tpu.wait_dma2 semaphore(%dma_wait3A_626 : memref<!tpu.dma_semaphore, #tpu.memory_space<semaphore_mem>>) src(%dma_wait3A_631 : memref<80xi32, #tpu.memory_space<hbm>>) dst(%dma_wait3A_629 : memref<80xi32, #tpu.memory_space<vmem>>)
      %dma_wait3A_632 = arith.constant 1 : i32
      %dma_wait3A_633 = arith.constant 1 : i32
      %dma_wait3A_634 = arith.constant 0 : i32
      %dma_wait3A_635 = arith.constant 0 : i32
      %dma_wait3A_636 = tpu.memref_slice %arg7[%dma_wait3A_632, %dma_wait3A_634, %dma_wait3A_635] : memref<3x80x128xf32, #tpu.memory_space<vmem>> -> memref<1x80x128xf32, #tpu.memory_space<vmem>>
      %dma_wait3A_637 = tpu.memref_squeeze %dma_wait3A_636 : memref<1x80x128xf32, #tpu.memory_space<vmem>> -> memref<80x128xf32, #tpu.memory_space<vmem>>
      %dma_wait3A_638 = arith.constant 0 : i32
      %dma_wait3A_639 = arith.constant 0 : i32
      %dma_wait3A_640 = tpu.memref_slice %arg2[%dma_wait3A_638, %dma_wait3A_639] : memref<10000x128xf32, #tpu.memory_space<hbm>> -> memref<80x128xf32, #tpu.memory_space<hbm>>
      %dma_wait3A_641 = tpu.memref_slice %arg10[%dma_wait3A_633] : memref<3x!tpu.dma_semaphore, #tpu.memory_space<semaphore_mem>> -> memref<1x!tpu.dma_semaphore, #tpu.memory_space<semaphore_mem>>
      %dma_wait3A_642 = tpu.memref_squeeze %dma_wait3A_641 : memref<1x!tpu.dma_semaphore, #tpu.memory_space<semaphore_mem>> -> memref<!tpu.dma_semaphore, #tpu.memory_space<semaphore_mem>>
      %dma_wait3A_643 = arith.constant 0 : i32
      %dma_wait3A_644 = arith.constant 0 : i32
      %dma_wait3A_645 = tpu.memref_slice %arg7[%dma_wait3A_632, %dma_wait3A_643, %dma_wait3A_644] : memref<3x80x128xf32, #tpu.memory_space<vmem>> -> memref<1x80x128xf32, #tpu.memory_space<vmem>>
      %dma_wait3A_646 = tpu.memref_squeeze %dma_wait3A_645 : memref<1x80x128xf32, #tpu.memory_space<vmem>> -> memref<80x128xf32, #tpu.memory_space<vmem>>
      %dma_wait3A_647 = arith.constant 0 : i32
      %dma_wait3A_648 = arith.constant 0 : i32
      %dma_wait3A_649 = tpu.memref_slice %arg2[%dma_wait3A_647, %dma_wait3A_648] : memref<10000x128xf32, #tpu.memory_space<hbm>> -> memref<80x128xf32, #tpu.memory_space<hbm>>
      tpu.wait_dma2 semaphore(%dma_wait3A_642 : memref<!tpu.dma_semaphore, #tpu.memory_space<semaphore_mem>>) src(%dma_wait3A_649 : memref<80x128xf32, #tpu.memory_space<hbm>>) dst(%dma_wait3A_646 : memref<80x128xf32, #tpu.memory_space<vmem>>)
      %dma_start3A_650 = arith.constant 1 : i32
      %dma_start3A_651 = arith.constant 1 : i32
      %dma_start3A_652 = arith.constant 0 : i32
      %dma_start3A_653 = arith.constant 1 : i32
      %dma_start3A_654 = arith.constant 0 : i32
      %dma_start3A_655 = arith.constant 0 : i32
      %dma_start3A_656 = tpu.memref_slice %arg7[%dma_start3A_650, %dma_start3A_654, %dma_start3A_655] : memref<3x80x128xf32, #tpu.memory_space<vmem>> -> memref<1x80x128xf32, #tpu.memory_space<vmem>>
      %dma_start3A_657 = tpu.memref_squeeze %dma_start3A_656 : memref<1x80x128xf32, #tpu.memory_space<vmem>> -> memref<80x128xf32, #tpu.memory_space<vmem>>
      %dma_start3A_658 = arith.constant 0 : i32
      %dma_start3A_659 = tpu.memref_slice %arg6[%dma_start3A_651, %dma_start3A_652, %dma_start3A_658] : memref<3x1x80xi32, #tpu.memory_space<vmem>> -> memref<1x1x80xi32, #tpu.memory_space<vmem>>
      %dma_start3A_660 = tpu.memref_squeeze %dma_start3A_659 : memref<1x1x80xi32, #tpu.memory_space<vmem>> -> memref<80xi32, #tpu.memory_space<vmem>>
      %dma_start3A_661 = arith.constant 0 : i32
      %dma_start3A_662 = arith.constant 0 : i32
      %dma_start3A_663 = tpu.memref_slice %arg8[%dma_start3A_661, %dma_start3A_662] : memref<10240x128xf32, #tpu.memory_space<vmem_shared>> -> memref<10240x128xf32, #tpu.memory_space<vmem_shared>>
      %dma_start3A_664 = tpu.memref_slice %arg11[%dma_start3A_653] : memref<3x!tpu.dma_semaphore, #tpu.memory_space<semaphore_mem>> -> memref<1x!tpu.dma_semaphore, #tpu.memory_space<semaphore_mem>>
      %dma_start3A_665 = tpu.memref_squeeze %dma_start3A_664 : memref<1x!tpu.dma_semaphore, #tpu.memory_space<semaphore_mem>> -> memref<!tpu.dma_semaphore, #tpu.memory_space<semaphore_mem>>
      tpu.enqueue_indirect_dma source(%dma_start3A_657 : memref<80x128xf32, #tpu.memory_space<vmem>>) target(%dma_start3A_663 : memref<10240x128xf32, #tpu.memory_space<vmem_shared>>) offsets(%dma_start3A_660 : memref<80xi32, #tpu.memory_space<vmem>>) semaphore(%dma_start3A_665 : memref<!tpu.dma_semaphore, #tpu.memory_space<semaphore_mem>>) {add = true}
      %dma_wait3A_666 = arith.constant 0 : i32
      %dma_wait3A_667 = arith.constant 0 : i32
      %dma_wait3A_668 = arith.constant 0 : i32
      %dma_wait3A_669 = arith.constant 0 : i32
      %dma_wait3A_670 = tpu.memref_slice %arg7[%dma_wait3A_666, %dma_wait3A_668, %dma_wait3A_669] : memref<3x80x128xf32, #tpu.memory_space<vmem>> -> memref<1x80x128xf32, #tpu.memory_space<vmem>>
      %dma_wait3A_671 = tpu.memref_squeeze %dma_wait3A_670 : memref<1x80x128xf32, #tpu.memory_space<vmem>> -> memref<80x128xf32, #tpu.memory_space<vmem>>
      %dma_wait3A_672 = arith.constant 0 : i32
      %dma_wait3A_673 = arith.constant 0 : i32
      %dma_wait3A_674 = tpu.memref_slice %arg2[%dma_wait3A_672, %dma_wait3A_673] : memref<10000x128xf32, #tpu.memory_space<hbm>> -> memref<80x128xf32, #tpu.memory_space<hbm>>
      %dma_wait3A_675 = tpu.memref_slice %arg11[%dma_wait3A_667] : memref<3x!tpu.dma_semaphore, #tpu.memory_space<semaphore_mem>> -> memref<1x!tpu.dma_semaphore, #tpu.memory_space<semaphore_mem>>
      %dma_wait3A_676 = tpu.memref_squeeze %dma_wait3A_675 : memref<1x!tpu.dma_semaphore, #tpu.memory_space<semaphore_mem>> -> memref<!tpu.dma_semaphore, #tpu.memory_space<semaphore_mem>>
      %dma_wait3A_677 = arith.constant 0 : i32
      %dma_wait3A_678 = arith.constant 0 : i32
      %dma_wait3A_679 = tpu.memref_slice %arg7[%dma_wait3A_666, %dma_wait3A_677, %dma_wait3A_678] : memref<3x80x128xf32, #tpu.memory_space<vmem>> -> memref<1x80x128xf32, #tpu.memory_space<vmem>>
      %dma_wait3A_680 = tpu.memref_squeeze %dma_wait3A_679 : memref<1x80x128xf32, #tpu.memory_space<vmem>> -> memref<80x128xf32, #tpu.memory_space<vmem>>
      %dma_wait3A_681 = arith.constant 0 : i32
      %dma_wait3A_682 = arith.constant 0 : i32
      %dma_wait3A_683 = tpu.memref_slice %arg2[%dma_wait3A_681, %dma_wait3A_682] : memref<10000x128xf32, #tpu.memory_space<hbm>> -> memref<80x128xf32, #tpu.memory_space<hbm>>
      tpu.wait_dma2 semaphore(%dma_wait3A_676 : memref<!tpu.dma_semaphore, #tpu.memory_space<semaphore_mem>>) src(%dma_wait3A_683 : memref<80x128xf32, #tpu.memory_space<hbm>>) dst(%dma_wait3A_680 : memref<80x128xf32, #tpu.memory_space<vmem>>)
      %add3A_684 = arith.constant 2 : i32
      %add3A_685 = arith.addi %add3A_616, %add3A_684 : i32
      %add3A_686 = arith.constant 320000 : i32
      %add3A_687 = arith.addi %add3A_686, %mul3A_4 : i32
      %mul3A_688 = arith.constant 80 : i32
      %mul3A_689 = arith.muli %add3A_685, %mul3A_688 : i32
      %add3A_690 = arith.addi %add3A_687, %mul3A_689 : i32
      %dma_start3A_691 = arith.constant 0 : i32
      %dma_start3A_692 = arith.constant 0 : i32
      %dma_start3A_693 = arith.constant 0 : i32
      %dma_start3A_694 = arith.constant 0 : i32
      %dma_start3A_695 = tpu.memref_slice %arg6[%dma_start3A_691, %dma_start3A_692, %dma_start3A_694] : memref<3x1x80xi32, #tpu.memory_space<vmem>> -> memref<1x1x80xi32, #tpu.memory_space<vmem>>
      %dma_start3A_696 = tpu.memref_squeeze %dma_start3A_695 : memref<1x1x80xi32, #tpu.memory_space<vmem>> -> memref<80xi32, #tpu.memory_space<vmem>>
      %dma_start3A_697 = tpu.memref_slice %arg3[%add3A_690] : memref<640000xi32, #tpu.memory_space<hbm>> -> memref<80xi32, #tpu.memory_space<hbm>>
      %dma_start3A_698 = tpu.memref_slice %arg9[%dma_start3A_693] : memref<3x!tpu.dma_semaphore, #tpu.memory_space<semaphore_mem>> -> memref<1x!tpu.dma_semaphore, #tpu.memory_space<semaphore_mem>>
      %dma_start3A_699 = tpu.memref_squeeze %dma_start3A_698 : memref<1x!tpu.dma_semaphore, #tpu.memory_space<semaphore_mem>> -> memref<!tpu.dma_semaphore, #tpu.memory_space<semaphore_mem>>
      %dma_start3A_700 = arith.constant 0 : i32
      %dma_start3A_701 = tpu.memref_slice %arg6[%dma_start3A_691, %dma_start3A_692, %dma_start3A_700] : memref<3x1x80xi32, #tpu.memory_space<vmem>> -> memref<1x1x80xi32, #tpu.memory_space<vmem>>
      %dma_start3A_702 = tpu.memref_squeeze %dma_start3A_701 : memref<1x1x80xi32, #tpu.memory_space<vmem>> -> memref<80xi32, #tpu.memory_space<vmem>>
      %dma_start3A_703 = tpu.memref_slice %arg3[%add3A_690] : memref<640000xi32, #tpu.memory_space<hbm>> -> memref<80xi32, #tpu.memory_space<hbm>>
      tpu.enqueue_dma source(%dma_start3A_703 : memref<80xi32, #tpu.memory_space<hbm>>) target(%dma_start3A_702 : memref<80xi32, #tpu.memory_space<vmem>>) target_semaphore(%dma_start3A_699 : memref<!tpu.dma_semaphore, #tpu.memory_space<semaphore_mem>>)
      %mul3A_704 = arith.constant 80 : i32
      %mul3A_705 = arith.muli %add3A_685, %mul3A_704 : i32
      %dma_start3A_706 = arith.constant 0 : i32
      %dma_start3A_707 = arith.constant 0 : i32
      %dma_start3A_708 = arith.constant 0 : i32
      %dma_start3A_709 = arith.constant 0 : i32
      %dma_start3A_710 = tpu.memref_slice %arg7[%dma_start3A_706, %dma_start3A_708, %dma_start3A_709] : memref<3x80x128xf32, #tpu.memory_space<vmem>> -> memref<1x80x128xf32, #tpu.memory_space<vmem>>
      %dma_start3A_711 = tpu.memref_squeeze %dma_start3A_710 : memref<1x80x128xf32, #tpu.memory_space<vmem>> -> memref<80x128xf32, #tpu.memory_space<vmem>>
      %dma_start3A_712 = tpu.memref_slice %arg5[%mul3A_705] : memref<10000xi32, #tpu.memory_space<vmem>> -> memref<80xi32, #tpu.memory_space<vmem>>
      %dma_start3A_713 = arith.constant 0 : i32
      %dma_start3A_714 = arith.constant 0 : i32
      %dma_start3A_715 = tpu.memref_slice %arg2[%dma_start3A_713, %dma_start3A_714] : memref<10000x128xf32, #tpu.memory_space<hbm>> -> memref<10000x128xf32, #tpu.memory_space<hbm>>
      %dma_start3A_716 = tpu.memref_slice %arg10[%dma_start3A_707] : memref<3x!tpu.dma_semaphore, #tpu.memory_space<semaphore_mem>> -> memref<1x!tpu.dma_semaphore, #tpu.memory_space<semaphore_mem>>
      %dma_start3A_717 = tpu.memref_squeeze %dma_start3A_716 : memref<1x!tpu.dma_semaphore, #tpu.memory_space<semaphore_mem>> -> memref<!tpu.dma_semaphore, #tpu.memory_space<semaphore_mem>>
      tpu.enqueue_indirect_dma source(%dma_start3A_715 : memref<10000x128xf32, #tpu.memory_space<hbm>>) target(%dma_start3A_711 : memref<80x128xf32, #tpu.memory_space<vmem>>) offsets(%dma_start3A_712 : memref<80xi32, #tpu.memory_space<vmem>>) semaphore(%dma_start3A_717 : memref<!tpu.dma_semaphore, #tpu.memory_space<semaphore_mem>>)
      %add3A_718 = arith.constant 2 : i32
      %add3A_719 = arith.addi %add3A_511, %add3A_718 : i32
      %dma_wait3A_720 = arith.constant 2 : i32
      %dma_wait3A_721 = arith.constant 0 : i32
      %dma_wait3A_722 = arith.constant 2 : i32
      %dma_wait3A_723 = arith.constant 0 : i32
      %dma_wait3A_724 = tpu.memref_slice %arg6[%dma_wait3A_720, %dma_wait3A_721, %dma_wait3A_723] : memref<3x1x80xi32, #tpu.memory_space<vmem>> -> memref<1x1x80xi32, #tpu.memory_space<vmem>>
      %dma_wait3A_725 = tpu.memref_squeeze %dma_wait3A_724 : memref<1x1x80xi32, #tpu.memory_space<vmem>> -> memref<80xi32, #tpu.memory_space<vmem>>
      %dma_wait3A_726 = arith.constant 0 : i32
      %dma_wait3A_727 = tpu.memref_slice %arg3[%dma_wait3A_726] : memref<640000xi32, #tpu.memory_space<hbm>> -> memref<80xi32, #tpu.memory_space<hbm>>
      %dma_wait3A_728 = tpu.memref_slice %arg9[%dma_wait3A_722] : memref<3x!tpu.dma_semaphore, #tpu.memory_space<semaphore_mem>> -> memref<1x!tpu.dma_semaphore, #tpu.memory_space<semaphore_mem>>
      %dma_wait3A_729 = tpu.memref_squeeze %dma_wait3A_728 : memref<1x!tpu.dma_semaphore, #tpu.memory_space<semaphore_mem>> -> memref<!tpu.dma_semaphore, #tpu.memory_space<semaphore_mem>>
      %dma_wait3A_730 = arith.constant 0 : i32
      %dma_wait3A_731 = tpu.memref_slice %arg6[%dma_wait3A_720, %dma_wait3A_721, %dma_wait3A_730] : memref<3x1x80xi32, #tpu.memory_space<vmem>> -> memref<1x1x80xi32, #tpu.memory_space<vmem>>
      %dma_wait3A_732 = tpu.memref_squeeze %dma_wait3A_731 : memref<1x1x80xi32, #tpu.memory_space<vmem>> -> memref<80xi32, #tpu.memory_space<vmem>>
      %dma_wait3A_733 = arith.constant 0 : i32
      %dma_wait3A_734 = tpu.memref_slice %arg3[%dma_wait3A_733] : memref<640000xi32, #tpu.memory_space<hbm>> -> memref<80xi32, #tpu.memory_space<hbm>>
      tpu.wait_dma2 semaphore(%dma_wait3A_729 : memref<!tpu.dma_semaphore, #tpu.memory_space<semaphore_mem>>) src(%dma_wait3A_734 : memref<80xi32, #tpu.memory_space<hbm>>) dst(%dma_wait3A_732 : memref<80xi32, #tpu.memory_space<vmem>>)
      %dma_wait3A_735 = arith.constant 2 : i32
      %dma_wait3A_736 = arith.constant 2 : i32
      %dma_wait3A_737 = arith.constant 0 : i32
      %dma_wait3A_738 = arith.constant 0 : i32
      %dma_wait3A_739 = tpu.memref_slice %arg7[%dma_wait3A_735, %dma_wait3A_737, %dma_wait3A_738] : memref<3x80x128xf32, #tpu.memory_space<vmem>> -> memref<1x80x128xf32, #tpu.memory_space<vmem>>
      %dma_wait3A_740 = tpu.memref_squeeze %dma_wait3A_739 : memref<1x80x128xf32, #tpu.memory_space<vmem>> -> memref<80x128xf32, #tpu.memory_space<vmem>>
      %dma_wait3A_741 = arith.constant 0 : i32
      %dma_wait3A_742 = arith.constant 0 : i32
      %dma_wait3A_743 = tpu.memref_slice %arg2[%dma_wait3A_741, %dma_wait3A_742] : memref<10000x128xf32, #tpu.memory_space<hbm>> -> memref<80x128xf32, #tpu.memory_space<hbm>>
      %dma_wait3A_744 = tpu.memref_slice %arg10[%dma_wait3A_736] : memref<3x!tpu.dma_semaphore, #tpu.memory_space<semaphore_mem>> -> memref<1x!tpu.dma_semaphore, #tpu.memory_space<semaphore_mem>>
      %dma_wait3A_745 = tpu.memref_squeeze %dma_wait3A_744 : memref<1x!tpu.dma_semaphore, #tpu.memory_space<semaphore_mem>> -> memref<!tpu.dma_semaphore, #tpu.memory_space<semaphore_mem>>
      %dma_wait3A_746 = arith.constant 0 : i32
      %dma_wait3A_747 = arith.constant 0 : i32
      %dma_wait3A_748 = tpu.memref_slice %arg7[%dma_wait3A_735, %dma_wait3A_746, %dma_wait3A_747] : memref<3x80x128xf32, #tpu.memory_space<vmem>> -> memref<1x80x128xf32, #tpu.memory_space<vmem>>
      %dma_wait3A_749 = tpu.memref_squeeze %dma_wait3A_748 : memref<1x80x128xf32, #tpu.memory_space<vmem>> -> memref<80x128xf32, #tpu.memory_space<vmem>>
      %dma_wait3A_750 = arith.constant 0 : i32
      %dma_wait3A_751 = arith.constant 0 : i32
      %dma_wait3A_752 = tpu.memref_slice %arg2[%dma_wait3A_750, %dma_wait3A_751] : memref<10000x128xf32, #tpu.memory_space<hbm>> -> memref<80x128xf32, #tpu.memory_space<hbm>>
      tpu.wait_dma2 semaphore(%dma_wait3A_745 : memref<!tpu.dma_semaphore, #tpu.memory_space<semaphore_mem>>) src(%dma_wait3A_752 : memref<80x128xf32, #tpu.memory_space<hbm>>) dst(%dma_wait3A_749 : memref<80x128xf32, #tpu.memory_space<vmem>>)
      %dma_start3A_753 = arith.constant 2 : i32
      %dma_start3A_754 = arith.constant 2 : i32
      %dma_start3A_755 = arith.constant 0 : i32
      %dma_start3A_756 = arith.constant 2 : i32
      %dma_start3A_757 = arith.constant 0 : i32
      %dma_start3A_758 = arith.constant 0 : i32
      %dma_start3A_759 = tpu.memref_slice %arg7[%dma_start3A_753, %dma_start3A_757, %dma_start3A_758] : memref<3x80x128xf32, #tpu.memory_space<vmem>> -> memref<1x80x128xf32, #tpu.memory_space<vmem>>
      %dma_start3A_760 = tpu.memref_squeeze %dma_start3A_759 : memref<1x80x128xf32, #tpu.memory_space<vmem>> -> memref<80x128xf32, #tpu.memory_space<vmem>>
      %dma_start3A_761 = arith.constant 0 : i32
      %dma_start3A_762 = tpu.memref_slice %arg6[%dma_start3A_754, %dma_start3A_755, %dma_start3A_761] : memref<3x1x80xi32, #tpu.memory_space<vmem>> -> memref<1x1x80xi32, #tpu.memory_space<vmem>>
      %dma_start3A_763 = tpu.memref_squeeze %dma_start3A_762 : memref<1x1x80xi32, #tpu.memory_space<vmem>> -> memref<80xi32, #tpu.memory_space<vmem>>
      %dma_start3A_764 = arith.constant 0 : i32
      %dma_start3A_765 = arith.constant 0 : i32
      %dma_start3A_766 = tpu.memref_slice %arg8[%dma_start3A_764, %dma_start3A_765] : memref<10240x128xf32, #tpu.memory_space<vmem_shared>> -> memref<10240x128xf32, #tpu.memory_space<vmem_shared>>
      %dma_start3A_767 = tpu.memref_slice %arg11[%dma_start3A_756] : memref<3x!tpu.dma_semaphore, #tpu.memory_space<semaphore_mem>> -> memref<1x!tpu.dma_semaphore, #tpu.memory_space<semaphore_mem>>
      %dma_start3A_768 = tpu.memref_squeeze %dma_start3A_767 : memref<1x!tpu.dma_semaphore, #tpu.memory_space<semaphore_mem>> -> memref<!tpu.dma_semaphore, #tpu.memory_space<semaphore_mem>>
      tpu.enqueue_indirect_dma source(%dma_start3A_760 : memref<80x128xf32, #tpu.memory_space<vmem>>) target(%dma_start3A_766 : memref<10240x128xf32, #tpu.memory_space<vmem_shared>>) offsets(%dma_start3A_763 : memref<80xi32, #tpu.memory_space<vmem>>) semaphore(%dma_start3A_768 : memref<!tpu.dma_semaphore, #tpu.memory_space<semaphore_mem>>) {add = true}
      %dma_wait3A_769 = arith.constant 1 : i32
      %dma_wait3A_770 = arith.constant 1 : i32
      %dma_wait3A_771 = arith.constant 0 : i32
      %dma_wait3A_772 = arith.constant 0 : i32
      %dma_wait3A_773 = tpu.memref_slice %arg7[%dma_wait3A_769, %dma_wait3A_771, %dma_wait3A_772] : memref<3x80x128xf32, #tpu.memory_space<vmem>> -> memref<1x80x128xf32, #tpu.memory_space<vmem>>
      %dma_wait3A_774 = tpu.memref_squeeze %dma_wait3A_773 : memref<1x80x128xf32, #tpu.memory_space<vmem>> -> memref<80x128xf32, #tpu.memory_space<vmem>>
      %dma_wait3A_775 = arith.constant 0 : i32
      %dma_wait3A_776 = arith.constant 0 : i32
      %dma_wait3A_777 = tpu.memref_slice %arg2[%dma_wait3A_775, %dma_wait3A_776] : memref<10000x128xf32, #tpu.memory_space<hbm>> -> memref<80x128xf32, #tpu.memory_space<hbm>>
      %dma_wait3A_778 = tpu.memref_slice %arg11[%dma_wait3A_770] : memref<3x!tpu.dma_semaphore, #tpu.memory_space<semaphore_mem>> -> memref<1x!tpu.dma_semaphore, #tpu.memory_space<semaphore_mem>>
      %dma_wait3A_779 = tpu.memref_squeeze %dma_wait3A_778 : memref<1x!tpu.dma_semaphore, #tpu.memory_space<semaphore_mem>> -> memref<!tpu.dma_semaphore, #tpu.memory_space<semaphore_mem>>
      %dma_wait3A_780 = arith.constant 0 : i32
      %dma_wait3A_781 = arith.constant 0 : i32
      %dma_wait3A_782 = tpu.memref_slice %arg7[%dma_wait3A_769, %dma_wait3A_780, %dma_wait3A_781] : memref<3x80x128xf32, #tpu.memory_space<vmem>> -> memref<1x80x128xf32, #tpu.memory_space<vmem>>
      %dma_wait3A_783 = tpu.memref_squeeze %dma_wait3A_782 : memref<1x80x128xf32, #tpu.memory_space<vmem>> -> memref<80x128xf32, #tpu.memory_space<vmem>>
      %dma_wait3A_784 = arith.constant 0 : i32
      %dma_wait3A_785 = arith.constant 0 : i32
      %dma_wait3A_786 = tpu.memref_slice %arg2[%dma_wait3A_784, %dma_wait3A_785] : memref<10000x128xf32, #tpu.memory_space<hbm>> -> memref<80x128xf32, #tpu.memory_space<hbm>>
      tpu.wait_dma2 semaphore(%dma_wait3A_779 : memref<!tpu.dma_semaphore, #tpu.memory_space<semaphore_mem>>) src(%dma_wait3A_786 : memref<80x128xf32, #tpu.memory_space<hbm>>) dst(%dma_wait3A_783 : memref<80x128xf32, #tpu.memory_space<vmem>>)
      %add3A_787 = arith.constant 2 : i32
      %add3A_788 = arith.addi %add3A_719, %add3A_787 : i32
      %add3A_789 = arith.constant 320000 : i32
      %add3A_790 = arith.addi %add3A_789, %mul3A_4 : i32
      %mul3A_791 = arith.constant 80 : i32
      %mul3A_792 = arith.muli %add3A_788, %mul3A_791 : i32
      %add3A_793 = arith.addi %add3A_790, %mul3A_792 : i32
      %dma_start3A_794 = arith.constant 1 : i32
      %dma_start3A_795 = arith.constant 0 : i32
      %dma_start3A_796 = arith.constant 1 : i32
      %dma_start3A_797 = arith.constant 0 : i32
      %dma_start3A_798 = tpu.memref_slice %arg6[%dma_start3A_794, %dma_start3A_795, %dma_start3A_797] : memref<3x1x80xi32, #tpu.memory_space<vmem>> -> memref<1x1x80xi32, #tpu.memory_space<vmem>>
      %dma_start3A_799 = tpu.memref_squeeze %dma_start3A_798 : memref<1x1x80xi32, #tpu.memory_space<vmem>> -> memref<80xi32, #tpu.memory_space<vmem>>
      %dma_start3A_800 = tpu.memref_slice %arg3[%add3A_793] : memref<640000xi32, #tpu.memory_space<hbm>> -> memref<80xi32, #tpu.memory_space<hbm>>
      %dma_start3A_801 = tpu.memref_slice %arg9[%dma_start3A_796] : memref<3x!tpu.dma_semaphore, #tpu.memory_space<semaphore_mem>> -> memref<1x!tpu.dma_semaphore, #tpu.memory_space<semaphore_mem>>
      %dma_start3A_802 = tpu.memref_squeeze %dma_start3A_801 : memref<1x!tpu.dma_semaphore, #tpu.memory_space<semaphore_mem>> -> memref<!tpu.dma_semaphore, #tpu.memory_space<semaphore_mem>>
      %dma_start3A_803 = arith.constant 0 : i32
      %dma_start3A_804 = tpu.memref_slice %arg6[%dma_start3A_794, %dma_start3A_795, %dma_start3A_803] : memref<3x1x80xi32, #tpu.memory_space<vmem>> -> memref<1x1x80xi32, #tpu.memory_space<vmem>>
      %dma_start3A_805 = tpu.memref_squeeze %dma_start3A_804 : memref<1x1x80xi32, #tpu.memory_space<vmem>> -> memref<80xi32, #tpu.memory_space<vmem>>
      %dma_start3A_806 = tpu.memref_slice %arg3[%add3A_793] : memref<640000xi32, #tpu.memory_space<hbm>> -> memref<80xi32, #tpu.memory_space<hbm>>
      tpu.enqueue_dma source(%dma_start3A_806 : memref<80xi32, #tpu.memory_space<hbm>>) target(%dma_start3A_805 : memref<80xi32, #tpu.memory_space<vmem>>) target_semaphore(%dma_start3A_802 : memref<!tpu.dma_semaphore, #tpu.memory_space<semaphore_mem>>)
      %mul3A_807 = arith.constant 80 : i32
      %mul3A_808 = arith.muli %add3A_788, %mul3A_807 : i32
      %dma_start3A_809 = arith.constant 1 : i32
      %dma_start3A_810 = arith.constant 1 : i32
      %dma_start3A_811 = arith.constant 0 : i32
      %dma_start3A_812 = arith.constant 0 : i32
      %dma_start3A_813 = tpu.memref_slice %arg7[%dma_start3A_809, %dma_start3A_811, %dma_start3A_812] : memref<3x80x128xf32, #tpu.memory_space<vmem>> -> memref<1x80x128xf32, #tpu.memory_space<vmem>>
      %dma_start3A_814 = tpu.memref_squeeze %dma_start3A_813 : memref<1x80x128xf32, #tpu.memory_space<vmem>> -> memref<80x128xf32, #tpu.memory_space<vmem>>
      %dma_start3A_815 = tpu.memref_slice %arg5[%mul3A_808] : memref<10000xi32, #tpu.memory_space<vmem>> -> memref<80xi32, #tpu.memory_space<vmem>>
      %dma_start3A_816 = arith.constant 0 : i32
      %dma_start3A_817 = arith.constant 0 : i32
      %dma_start3A_818 = tpu.memref_slice %arg2[%dma_start3A_816, %dma_start3A_817] : memref<10000x128xf32, #tpu.memory_space<hbm>> -> memref<10000x128xf32, #tpu.memory_space<hbm>>
      %dma_start3A_819 = tpu.memref_slice %arg10[%dma_start3A_810] : memref<3x!tpu.dma_semaphore, #tpu.memory_space<semaphore_mem>> -> memref<1x!tpu.dma_semaphore, #tpu.memory_space<semaphore_mem>>
      %dma_start3A_820 = tpu.memref_squeeze %dma_start3A_819 : memref<1x!tpu.dma_semaphore, #tpu.memory_space<semaphore_mem>> -> memref<!tpu.dma_semaphore, #tpu.memory_space<semaphore_mem>>
      tpu.enqueue_indirect_dma source(%dma_start3A_818 : memref<10000x128xf32, #tpu.memory_space<hbm>>) target(%dma_start3A_814 : memref<80x128xf32, #tpu.memory_space<vmem>>) offsets(%dma_start3A_815 : memref<80xi32, #tpu.memory_space<vmem>>) semaphore(%dma_start3A_820 : memref<!tpu.dma_semaphore, #tpu.memory_space<semaphore_mem>>)
    }
    %scan3A_353 = arith.constant 40 : i32
    %dma_wait3A_354 = arith.constant 0 : i32
    %dma_wait3A_355 = arith.constant 0 : i32
    %dma_wait3A_356 = arith.constant 0 : i32
    %dma_wait3A_357 = arith.constant 0 : i32
    %dma_wait3A_358 = tpu.memref_slice %arg6[%dma_wait3A_354, %dma_wait3A_355, %dma_wait3A_357] : memref<3x1x80xi32, #tpu.memory_space<vmem>> -> memref<1x1x80xi32, #tpu.memory_space<vmem>>
    %dma_wait3A_359 = tpu.memref_squeeze %dma_wait3A_358 : memref<1x1x80xi32, #tpu.memory_space<vmem>> -> memref<80xi32, #tpu.memory_space<vmem>>
    %dma_wait3A_360 = arith.constant 0 : i32
    %dma_wait3A_361 = tpu.memref_slice %arg3[%dma_wait3A_360] : memref<640000xi32, #tpu.memory_space<hbm>> -> memref<80xi32, #tpu.memory_space<hbm>>
    %dma_wait3A_362 = tpu.memref_slice %arg9[%dma_wait3A_356] : memref<3x!tpu.dma_semaphore, #tpu.memory_space<semaphore_mem>> -> memref<1x!tpu.dma_semaphore, #tpu.memory_space<semaphore_mem>>
    %dma_wait3A_363 = tpu.memref_squeeze %dma_wait3A_362 : memref<1x!tpu.dma_semaphore, #tpu.memory_space<semaphore_mem>> -> memref<!tpu.dma_semaphore, #tpu.memory_space<semaphore_mem>>
    %dma_wait3A_364 = arith.constant 0 : i32
    %dma_wait3A_365 = tpu.memref_slice %arg6[%dma_wait3A_354, %dma_wait3A_355, %dma_wait3A_364] : memref<3x1x80xi32, #tpu.memory_space<vmem>> -> memref<1x1x80xi32, #tpu.memory_space<vmem>>
    %dma_wait3A_366 = tpu.memref_squeeze %dma_wait3A_365 : memref<1x1x80xi32, #tpu.memory_space<vmem>> -> memref<80xi32, #tpu.memory_space<vmem>>
    %dma_wait3A_367 = arith.constant 0 : i32
    %dma_wait3A_368 = tpu.memref_slice %arg3[%dma_wait3A_367] : memref<640000xi32, #tpu.memory_space<hbm>> -> memref<80xi32, #tpu.memory_space<hbm>>
    tpu.wait_dma2 semaphore(%dma_wait3A_363 : memref<!tpu.dma_semaphore, #tpu.memory_space<semaphore_mem>>) src(%dma_wait3A_368 : memref<80xi32, #tpu.memory_space<hbm>>) dst(%dma_wait3A_366 : memref<80xi32, #tpu.memory_space<vmem>>)
    %dma_wait3A_369 = arith.constant 0 : i32
    %dma_wait3A_370 = arith.constant 0 : i32
    %dma_wait3A_371 = arith.constant 0 : i32
    %dma_wait3A_372 = arith.constant 0 : i32
    %dma_wait3A_373 = tpu.memref_slice %arg7[%dma_wait3A_369, %dma_wait3A_371, %dma_wait3A_372] : memref<3x80x128xf32, #tpu.memory_space<vmem>> -> memref<1x80x128xf32, #tpu.memory_space<vmem>>
    %dma_wait3A_374 = tpu.memref_squeeze %dma_wait3A_373 : memref<1x80x128xf32, #tpu.memory_space<vmem>> -> memref<80x128xf32, #tpu.memory_space<vmem>>
    %dma_wait3A_375 = arith.constant 0 : i32
    %dma_wait3A_376 = arith.constant 0 : i32
    %dma_wait3A_377 = tpu.memref_slice %arg2[%dma_wait3A_375, %dma_wait3A_376] : memref<10000x128xf32, #tpu.memory_space<hbm>> -> memref<80x128xf32, #tpu.memory_space<hbm>>
    %dma_wait3A_378 = tpu.memref_slice %arg10[%dma_wait3A_370] : memref<3x!tpu.dma_semaphore, #tpu.memory_space<semaphore_mem>> -> memref<1x!tpu.dma_semaphore, #tpu.memory_space<semaphore_mem>>
    %dma_wait3A_379 = tpu.memref_squeeze %dma_wait3A_378 : memref<1x!tpu.dma_semaphore, #tpu.memory_space<semaphore_mem>> -> memref<!tpu.dma_semaphore, #tpu.memory_space<semaphore_mem>>
    %dma_wait3A_380 = arith.constant 0 : i32
    %dma_wait3A_381 = arith.constant 0 : i32
    %dma_wait3A_382 = tpu.memref_slice %arg7[%dma_wait3A_369, %dma_wait3A_380, %dma_wait3A_381] : memref<3x80x128xf32, #tpu.memory_space<vmem>> -> memref<1x80x128xf32, #tpu.memory_space<vmem>>
    %dma_wait3A_383 = tpu.memref_squeeze %dma_wait3A_382 : memref<1x80x128xf32, #tpu.memory_space<vmem>> -> memref<80x128xf32, #tpu.memory_space<vmem>>
    %dma_wait3A_384 = arith.constant 0 : i32
    %dma_wait3A_385 = arith.constant 0 : i32
    %dma_wait3A_386 = tpu.memref_slice %arg2[%dma_wait3A_384, %dma_wait3A_385] : memref<10000x128xf32, #tpu.memory_space<hbm>> -> memref<80x128xf32, #tpu.memory_space<hbm>>
    tpu.wait_dma2 semaphore(%dma_wait3A_379 : memref<!tpu.dma_semaphore, #tpu.memory_space<semaphore_mem>>) src(%dma_wait3A_386 : memref<80x128xf32, #tpu.memory_space<hbm>>) dst(%dma_wait3A_383 : memref<80x128xf32, #tpu.memory_space<vmem>>)
    %dma_start3A_387 = arith.constant 0 : i32
    %dma_start3A_388 = arith.constant 0 : i32
    %dma_start3A_389 = arith.constant 0 : i32
    %dma_start3A_390 = arith.constant 0 : i32
    %dma_start3A_391 = arith.constant 0 : i32
    %dma_start3A_392 = arith.constant 0 : i32
    %dma_start3A_393 = tpu.memref_slice %arg7[%dma_start3A_387, %dma_start3A_391, %dma_start3A_392] : memref<3x80x128xf32, #tpu.memory_space<vmem>> -> memref<1x80x128xf32, #tpu.memory_space<vmem>>
    %dma_start3A_394 = tpu.memref_squeeze %dma_start3A_393 : memref<1x80x128xf32, #tpu.memory_space<vmem>> -> memref<80x128xf32, #tpu.memory_space<vmem>>
    %dma_start3A_395 = arith.constant 0 : i32
    %dma_start3A_396 = tpu.memref_slice %arg6[%dma_start3A_388, %dma_start3A_389, %dma_start3A_395] : memref<3x1x80xi32, #tpu.memory_space<vmem>> -> memref<1x1x80xi32, #tpu.memory_space<vmem>>
    %dma_start3A_397 = tpu.memref_squeeze %dma_start3A_396 : memref<1x1x80xi32, #tpu.memory_space<vmem>> -> memref<80xi32, #tpu.memory_space<vmem>>
    %dma_start3A_398 = arith.constant 0 : i32
    %dma_start3A_399 = arith.constant 0 : i32
    %dma_start3A_400 = tpu.memref_slice %arg8[%dma_start3A_398, %dma_start3A_399] : memref<10240x128xf32, #tpu.memory_space<vmem_shared>> -> memref<10240x128xf32, #tpu.memory_space<vmem_shared>>
    %dma_start3A_401 = tpu.memref_slice %arg11[%dma_start3A_390] : memref<3x!tpu.dma_semaphore, #tpu.memory_space<semaphore_mem>> -> memref<1x!tpu.dma_semaphore, #tpu.memory_space<semaphore_mem>>
    %dma_start3A_402 = tpu.memref_squeeze %dma_start3A_401 : memref<1x!tpu.dma_semaphore, #tpu.memory_space<semaphore_mem>> -> memref<!tpu.dma_semaphore, #tpu.memory_space<semaphore_mem>>
    tpu.enqueue_indirect_dma source(%dma_start3A_394 : memref<80x128xf32, #tpu.memory_space<vmem>>) target(%dma_start3A_400 : memref<10240x128xf32, #tpu.memory_space<vmem_shared>>) offsets(%dma_start3A_397 : memref<80xi32, #tpu.memory_space<vmem>>) semaphore(%dma_start3A_402 : memref<!tpu.dma_semaphore, #tpu.memory_space<semaphore_mem>>) {add = true}
    %dma_wait3A_403 = arith.constant 1 : i32
    %dma_wait3A_404 = arith.constant 0 : i32
    %dma_wait3A_405 = arith.constant 1 : i32
    %dma_wait3A_406 = arith.constant 0 : i32
    %dma_wait3A_407 = tpu.memref_slice %arg6[%dma_wait3A_403, %dma_wait3A_404, %dma_wait3A_406] : memref<3x1x80xi32, #tpu.memory_space<vmem>> -> memref<1x1x80xi32, #tpu.memory_space<vmem>>
    %dma_wait3A_408 = tpu.memref_squeeze %dma_wait3A_407 : memref<1x1x80xi32, #tpu.memory_space<vmem>> -> memref<80xi32, #tpu.memory_space<vmem>>
    %dma_wait3A_409 = arith.constant 0 : i32
    %dma_wait3A_410 = tpu.memref_slice %arg3[%dma_wait3A_409] : memref<640000xi32, #tpu.memory_space<hbm>> -> memref<80xi32, #tpu.memory_space<hbm>>
    %dma_wait3A_411 = tpu.memref_slice %arg9[%dma_wait3A_405] : memref<3x!tpu.dma_semaphore, #tpu.memory_space<semaphore_mem>> -> memref<1x!tpu.dma_semaphore, #tpu.memory_space<semaphore_mem>>
    %dma_wait3A_412 = tpu.memref_squeeze %dma_wait3A_411 : memref<1x!tpu.dma_semaphore, #tpu.memory_space<semaphore_mem>> -> memref<!tpu.dma_semaphore, #tpu.memory_space<semaphore_mem>>
    %dma_wait3A_413 = arith.constant 0 : i32
    %dma_wait3A_414 = tpu.memref_slice %arg6[%dma_wait3A_403, %dma_wait3A_404, %dma_wait3A_413] : memref<3x1x80xi32, #tpu.memory_space<vmem>> -> memref<1x1x80xi32, #tpu.memory_space<vmem>>
    %dma_wait3A_415 = tpu.memref_squeeze %dma_wait3A_414 : memref<1x1x80xi32, #tpu.memory_space<vmem>> -> memref<80xi32, #tpu.memory_space<vmem>>
    %dma_wait3A_416 = arith.constant 0 : i32
    %dma_wait3A_417 = tpu.memref_slice %arg3[%dma_wait3A_416] : memref<640000xi32, #tpu.memory_space<hbm>> -> memref<80xi32, #tpu.memory_space<hbm>>
    tpu.wait_dma2 semaphore(%dma_wait3A_412 : memref<!tpu.dma_semaphore, #tpu.memory_space<semaphore_mem>>) src(%dma_wait3A_417 : memref<80xi32, #tpu.memory_space<hbm>>) dst(%dma_wait3A_415 : memref<80xi32, #tpu.memory_space<vmem>>)
    %dma_wait3A_418 = arith.constant 1 : i32
    %dma_wait3A_419 = arith.constant 1 : i32
    %dma_wait3A_420 = arith.constant 0 : i32
    %dma_wait3A_421 = arith.constant 0 : i32
    %dma_wait3A_422 = tpu.memref_slice %arg7[%dma_wait3A_418, %dma_wait3A_420, %dma_wait3A_421] : memref<3x80x128xf32, #tpu.memory_space<vmem>> -> memref<1x80x128xf32, #tpu.memory_space<vmem>>
    %dma_wait3A_423 = tpu.memref_squeeze %dma_wait3A_422 : memref<1x80x128xf32, #tpu.memory_space<vmem>> -> memref<80x128xf32, #tpu.memory_space<vmem>>
    %dma_wait3A_424 = arith.constant 0 : i32
    %dma_wait3A_425 = arith.constant 0 : i32
    %dma_wait3A_426 = tpu.memref_slice %arg2[%dma_wait3A_424, %dma_wait3A_425] : memref<10000x128xf32, #tpu.memory_space<hbm>> -> memref<80x128xf32, #tpu.memory_space<hbm>>
    %dma_wait3A_427 = tpu.memref_slice %arg10[%dma_wait3A_419] : memref<3x!tpu.dma_semaphore, #tpu.memory_space<semaphore_mem>> -> memref<1x!tpu.dma_semaphore, #tpu.memory_space<semaphore_mem>>
    %dma_wait3A_428 = tpu.memref_squeeze %dma_wait3A_427 : memref<1x!tpu.dma_semaphore, #tpu.memory_space<semaphore_mem>> -> memref<!tpu.dma_semaphore, #tpu.memory_space<semaphore_mem>>
    %dma_wait3A_429 = arith.constant 0 : i32
    %dma_wait3A_430 = arith.constant 0 : i32
    %dma_wait3A_431 = tpu.memref_slice %arg7[%dma_wait3A_418, %dma_wait3A_429, %dma_wait3A_430] : memref<3x80x128xf32, #tpu.memory_space<vmem>> -> memref<1x80x128xf32, #tpu.memory_space<vmem>>
    %dma_wait3A_432 = tpu.memref_squeeze %dma_wait3A_431 : memref<1x80x128xf32, #tpu.memory_space<vmem>> -> memref<80x128xf32, #tpu.memory_space<vmem>>
    %dma_wait3A_433 = arith.constant 0 : i32
    %dma_wait3A_434 = arith.constant 0 : i32
    %dma_wait3A_435 = tpu.memref_slice %arg2[%dma_wait3A_433, %dma_wait3A_434] : memref<10000x128xf32, #tpu.memory_space<hbm>> -> memref<80x128xf32, #tpu.memory_space<hbm>>
    tpu.wait_dma2 semaphore(%dma_wait3A_428 : memref<!tpu.dma_semaphore, #tpu.memory_space<semaphore_mem>>) src(%dma_wait3A_435 : memref<80x128xf32, #tpu.memory_space<hbm>>) dst(%dma_wait3A_432 : memref<80x128xf32, #tpu.memory_space<vmem>>)
    %dma_start3A_436 = arith.constant 1 : i32
    %dma_start3A_437 = arith.constant 1 : i32
    %dma_start3A_438 = arith.constant 0 : i32
    %dma_start3A_439 = arith.constant 1 : i32
    %dma_start3A_440 = arith.constant 0 : i32
    %dma_start3A_441 = arith.constant 0 : i32
    %dma_start3A_442 = tpu.memref_slice %arg7[%dma_start3A_436, %dma_start3A_440, %dma_start3A_441] : memref<3x80x128xf32, #tpu.memory_space<vmem>> -> memref<1x80x128xf32, #tpu.memory_space<vmem>>
    %dma_start3A_443 = tpu.memref_squeeze %dma_start3A_442 : memref<1x80x128xf32, #tpu.memory_space<vmem>> -> memref<80x128xf32, #tpu.memory_space<vmem>>
    %dma_start3A_444 = arith.constant 0 : i32
    %dma_start3A_445 = tpu.memref_slice %arg6[%dma_start3A_437, %dma_start3A_438, %dma_start3A_444] : memref<3x1x80xi32, #tpu.memory_space<vmem>> -> memref<1x1x80xi32, #tpu.memory_space<vmem>>
    %dma_start3A_446 = tpu.memref_squeeze %dma_start3A_445 : memref<1x1x80xi32, #tpu.memory_space<vmem>> -> memref<80xi32, #tpu.memory_space<vmem>>
    %dma_start3A_447 = arith.constant 0 : i32
    %dma_start3A_448 = arith.constant 0 : i32
    %dma_start3A_449 = tpu.memref_slice %arg8[%dma_start3A_447, %dma_start3A_448] : memref<10240x128xf32, #tpu.memory_space<vmem_shared>> -> memref<10240x128xf32, #tpu.memory_space<vmem_shared>>
    %dma_start3A_450 = tpu.memref_slice %arg11[%dma_start3A_439] : memref<3x!tpu.dma_semaphore, #tpu.memory_space<semaphore_mem>> -> memref<1x!tpu.dma_semaphore, #tpu.memory_space<semaphore_mem>>
    %dma_start3A_451 = tpu.memref_squeeze %dma_start3A_450 : memref<1x!tpu.dma_semaphore, #tpu.memory_space<semaphore_mem>> -> memref<!tpu.dma_semaphore, #tpu.memory_space<semaphore_mem>>
    tpu.enqueue_indirect_dma source(%dma_start3A_443 : memref<80x128xf32, #tpu.memory_space<vmem>>) target(%dma_start3A_449 : memref<10240x128xf32, #tpu.memory_space<vmem_shared>>) offsets(%dma_start3A_446 : memref<80xi32, #tpu.memory_space<vmem>>) semaphore(%dma_start3A_451 : memref<!tpu.dma_semaphore, #tpu.memory_space<semaphore_mem>>) {add = true}
    %dma_wait3A_452 = arith.constant 2 : i32
    %dma_wait3A_453 = arith.constant 2 : i32
    %dma_wait3A_454 = arith.constant 0 : i32
    %dma_wait3A_455 = arith.constant 0 : i32
    %dma_wait3A_456 = tpu.memref_slice %arg7[%dma_wait3A_452, %dma_wait3A_454, %dma_wait3A_455] : memref<3x80x128xf32, #tpu.memory_space<vmem>> -> memref<1x80x128xf32, #tpu.memory_space<vmem>>
    %dma_wait3A_457 = tpu.memref_squeeze %dma_wait3A_456 : memref<1x80x128xf32, #tpu.memory_space<vmem>> -> memref<80x128xf32, #tpu.memory_space<vmem>>
    %dma_wait3A_458 = arith.constant 0 : i32
    %dma_wait3A_459 = arith.constant 0 : i32
    %dma_wait3A_460 = tpu.memref_slice %arg2[%dma_wait3A_458, %dma_wait3A_459] : memref<10000x128xf32, #tpu.memory_space<hbm>> -> memref<80x128xf32, #tpu.memory_space<hbm>>
    %dma_wait3A_461 = tpu.memref_slice %arg11[%dma_wait3A_453] : memref<3x!tpu.dma_semaphore, #tpu.memory_space<semaphore_mem>> -> memref<1x!tpu.dma_semaphore, #tpu.memory_space<semaphore_mem>>
    %dma_wait3A_462 = tpu.memref_squeeze %dma_wait3A_461 : memref<1x!tpu.dma_semaphore, #tpu.memory_space<semaphore_mem>> -> memref<!tpu.dma_semaphore, #tpu.memory_space<semaphore_mem>>
    %dma_wait3A_463 = arith.constant 0 : i32
    %dma_wait3A_464 = arith.constant 0 : i32
    %dma_wait3A_465 = tpu.memref_slice %arg7[%dma_wait3A_452, %dma_wait3A_463, %dma_wait3A_464] : memref<3x80x128xf32, #tpu.memory_space<vmem>> -> memref<1x80x128xf32, #tpu.memory_space<vmem>>
    %dma_wait3A_466 = tpu.memref_squeeze %dma_wait3A_465 : memref<1x80x128xf32, #tpu.memory_space<vmem>> -> memref<80x128xf32, #tpu.memory_space<vmem>>
    %dma_wait3A_467 = arith.constant 0 : i32
    %dma_wait3A_468 = arith.constant 0 : i32
    %dma_wait3A_469 = tpu.memref_slice %arg2[%dma_wait3A_467, %dma_wait3A_468] : memref<10000x128xf32, #tpu.memory_space<hbm>> -> memref<80x128xf32, #tpu.memory_space<hbm>>
    tpu.wait_dma2 semaphore(%dma_wait3A_462 : memref<!tpu.dma_semaphore, #tpu.memory_space<semaphore_mem>>) src(%dma_wait3A_469 : memref<80x128xf32, #tpu.memory_space<hbm>>) dst(%dma_wait3A_466 : memref<80x128xf32, #tpu.memory_space<vmem>>)
    %dma_wait3A_470 = arith.constant 0 : i32
    %dma_wait3A_471 = arith.constant 0 : i32
    %dma_wait3A_472 = arith.constant 0 : i32
    %dma_wait3A_473 = arith.constant 0 : i32
    %dma_wait3A_474 = tpu.memref_slice %arg7[%dma_wait3A_470, %dma_wait3A_472, %dma_wait3A_473] : memref<3x80x128xf32, #tpu.memory_space<vmem>> -> memref<1x80x128xf32, #tpu.memory_space<vmem>>
    %dma_wait3A_475 = tpu.memref_squeeze %dma_wait3A_474 : memref<1x80x128xf32, #tpu.memory_space<vmem>> -> memref<80x128xf32, #tpu.memory_space<vmem>>
    %dma_wait3A_476 = arith.constant 0 : i32
    %dma_wait3A_477 = arith.constant 0 : i32
    %dma_wait3A_478 = tpu.memref_slice %arg2[%dma_wait3A_476, %dma_wait3A_477] : memref<10000x128xf32, #tpu.memory_space<hbm>> -> memref<80x128xf32, #tpu.memory_space<hbm>>
    %dma_wait3A_479 = tpu.memref_slice %arg11[%dma_wait3A_471] : memref<3x!tpu.dma_semaphore, #tpu.memory_space<semaphore_mem>> -> memref<1x!tpu.dma_semaphore, #tpu.memory_space<semaphore_mem>>
    %dma_wait3A_480 = tpu.memref_squeeze %dma_wait3A_479 : memref<1x!tpu.dma_semaphore, #tpu.memory_space<semaphore_mem>> -> memref<!tpu.dma_semaphore, #tpu.memory_space<semaphore_mem>>
    %dma_wait3A_481 = arith.constant 0 : i32
    %dma_wait3A_482 = arith.constant 0 : i32
    %dma_wait3A_483 = tpu.memref_slice %arg7[%dma_wait3A_470, %dma_wait3A_481, %dma_wait3A_482] : memref<3x80x128xf32, #tpu.memory_space<vmem>> -> memref<1x80x128xf32, #tpu.memory_space<vmem>>
    %dma_wait3A_484 = tpu.memref_squeeze %dma_wait3A_483 : memref<1x80x128xf32, #tpu.memory_space<vmem>> -> memref<80x128xf32, #tpu.memory_space<vmem>>
    %dma_wait3A_485 = arith.constant 0 : i32
    %dma_wait3A_486 = arith.constant 0 : i32
    %dma_wait3A_487 = tpu.memref_slice %arg2[%dma_wait3A_485, %dma_wait3A_486] : memref<10000x128xf32, #tpu.memory_space<hbm>> -> memref<80x128xf32, #tpu.memory_space<hbm>>
    tpu.wait_dma2 semaphore(%dma_wait3A_480 : memref<!tpu.dma_semaphore, #tpu.memory_space<semaphore_mem>>) src(%dma_wait3A_487 : memref<80x128xf32, #tpu.memory_space<hbm>>) dst(%dma_wait3A_484 : memref<80x128xf32, #tpu.memory_space<vmem>>)
    %dma_wait3A_488 = arith.constant 1 : i32
    %dma_wait3A_489 = arith.constant 1 : i32
    %dma_wait3A_490 = arith.constant 0 : i32
    %dma_wait3A_491 = arith.constant 0 : i32
    %dma_wait3A_492 = tpu.memref_slice %arg7[%dma_wait3A_488, %dma_wait3A_490, %dma_wait3A_491] : memref<3x80x128xf32, #tpu.memory_space<vmem>> -> memref<1x80x128xf32, #tpu.memory_space<vmem>>
    %dma_wait3A_493 = tpu.memref_squeeze %dma_wait3A_492 : memref<1x80x128xf32, #tpu.memory_space<vmem>> -> memref<80x128xf32, #tpu.memory_space<vmem>>
    %dma_wait3A_494 = arith.constant 0 : i32
    %dma_wait3A_495 = arith.constant 0 : i32
    %dma_wait3A_496 = tpu.memref_slice %arg2[%dma_wait3A_494, %dma_wait3A_495] : memref<10000x128xf32, #tpu.memory_space<hbm>> -> memref<80x128xf32, #tpu.memory_space<hbm>>
    %dma_wait3A_497 = tpu.memref_slice %arg11[%dma_wait3A_489] : memref<3x!tpu.dma_semaphore, #tpu.memory_space<semaphore_mem>> -> memref<1x!tpu.dma_semaphore, #tpu.memory_space<semaphore_mem>>
    %dma_wait3A_498 = tpu.memref_squeeze %dma_wait3A_497 : memref<1x!tpu.dma_semaphore, #tpu.memory_space<semaphore_mem>> -> memref<!tpu.dma_semaphore, #tpu.memory_space<semaphore_mem>>
    %dma_wait3A_499 = arith.constant 0 : i32
    %dma_wait3A_500 = arith.constant 0 : i32
    %dma_wait3A_501 = tpu.memref_slice %arg7[%dma_wait3A_488, %dma_wait3A_499, %dma_wait3A_500] : memref<3x80x128xf32, #tpu.memory_space<vmem>> -> memref<1x80x128xf32, #tpu.memory_space<vmem>>
    %dma_wait3A_502 = tpu.memref_squeeze %dma_wait3A_501 : memref<1x80x128xf32, #tpu.memory_space<vmem>> -> memref<80x128xf32, #tpu.memory_space<vmem>>
    %dma_wait3A_503 = arith.constant 0 : i32
    %dma_wait3A_504 = arith.constant 0 : i32
    %dma_wait3A_505 = tpu.memref_slice %arg2[%dma_wait3A_503, %dma_wait3A_504] : memref<10000x128xf32, #tpu.memory_space<hbm>> -> memref<80x128xf32, #tpu.memory_space<hbm>>
    tpu.wait_dma2 semaphore(%dma_wait3A_498 : memref<!tpu.dma_semaphore, #tpu.memory_space<semaphore_mem>>) src(%dma_wait3A_505 : memref<80x128xf32, #tpu.memory_space<hbm>>) dst(%dma_wait3A_502 : memref<80x128xf32, #tpu.memory_space<vmem>>)
    %barrier3A_506 = arith.constant 0 : index
    tpu.barrier barrier_id(%barrier3A_506)
    "tpu.region"() ({
      %run_scoped3A = tpu.sem_alloc : memref<!tpu.dma_semaphore, #tpu.memory_space<semaphore_mem>>
      %dma_start3A_507 = arith.constant 0 : i32
      %dma_start3A_508 = tpu.memref_slice %arg4[%arg0, %mul3A_0, %dma_start3A_507] : memref<2x10240x128xf32, #tpu.memory_space<hbm>> -> memref<1x640x128xf32, #tpu.memory_space<hbm>>
      %dma_start3A_509 = tpu.memref_squeeze %dma_start3A_508 : memref<1x640x128xf32, #tpu.memory_space<hbm>> -> memref<640x128xf32, #tpu.memory_space<hbm>>
      %dma_start3A_510 = arith.constant 0 : i32
      %dma_start3A_511 = tpu.memref_slice %arg8[%mul3A_0, %dma_start3A_510] : memref<10240x128xf32, #tpu.memory_space<vmem_shared>> -> memref<640x128xf32, #tpu.memory_space<vmem_shared>>
      tpu.enqueue_dma source(%dma_start3A_511 : memref<640x128xf32, #tpu.memory_space<vmem_shared>>) target(%dma_start3A_509 : memref<640x128xf32, #tpu.memory_space<hbm>>) target_semaphore(%run_scoped3A : memref<!tpu.dma_semaphore, #tpu.memory_space<semaphore_mem>>)
      %dma_wait3A_512 = arith.constant 0 : i32
      %dma_wait3A_513 = tpu.memref_slice %arg4[%arg0, %mul3A_0, %dma_wait3A_512] : memref<2x10240x128xf32, #tpu.memory_space<hbm>> -> memref<1x640x128xf32, #tpu.memory_space<hbm>>
      %dma_wait3A_514 = tpu.memref_squeeze %dma_wait3A_513 : memref<1x640x128xf32, #tpu.memory_space<hbm>> -> memref<640x128xf32, #tpu.memory_space<hbm>>
      %dma_wait3A_515 = arith.constant 0 : i32
      %dma_wait3A_516 = tpu.memref_slice %arg8[%mul3A_0, %dma_wait3A_515] : memref<10240x128xf32, #tpu.memory_space<vmem_shared>> -> memref<640x128xf32, #tpu.memory_space<vmem_shared>>
      tpu.wait_dma2 semaphore(%run_scoped3A : memref<!tpu.dma_semaphore, #tpu.memory_space<semaphore_mem>>) src(%dma_wait3A_516 : memref<640x128xf32, #tpu.memory_space<vmem_shared>>) dst(%dma_wait3A_514 : memref<640x128xf32, #tpu.memory_space<hbm>>)
      tpu.yield
    }) : () -> ()
    return
  }
}

module attributes {stable_mosaic.version = 14 : i64} {
  func.func @_tc_matmul_body(%arg0: i32, %arg1: memref<2000x128xf32, #tpu.memory_space<vmem>>, %arg2: memref<128x128xf32, #tpu.memory_space<vmem>>, %arg3: memref<2000x128xf32, #tpu.memory_space<vmem>>) attributes {dimension_semantics = [#tpu.dimension_semantics<arbitrary>], iteration_bounds = array<i64: 5>, scalar_prefetch = 0 : i64, scratch_operands = 0 : i64, tpu.core_type = #tpu.core_type<tc>, window_params = [{transform_indices = @transform_0, window_bounds = array<i64: 2000, 128>}, {pipeline_mode = #tpu.pipeline_mode<synchronous>, transform_indices = @transform_1, window_bounds = array<i64: 128, 128>}, {transform_indices = @transform_2, window_bounds = array<i64: 2000, 128>}]} {
    %get3A = arith.constant 0 : index
    %get3A_0 = arith.constant 0 : index
    %get3A_1 = vector.load %arg1[%get3A, %get3A_0] : memref<2000x128xf32, #tpu.memory_space<vmem>>, vector<2000x128xf32>
    %get3A_2 = arith.constant 0 : index
    %get3A_3 = arith.constant 0 : index
    %get3A_4 = vector.load %arg2[%get3A_2, %get3A_3] : memref<128x128xf32, #tpu.memory_space<vmem>>, vector<128x128xf32>
    %dot_general3A = arith.constant dense<0.000000e+00> : vector<2000x128xf32>
    %dot_general3A_5 = tpu.matmul %get3A_1, %get3A_4, %dot_general3A {dimension_numbers = #tpu.dot_dimension_numbers<[1], [0], [0], [1], [0, 0, 1, 1], [], []>, transpose_lhs_hint = false} : vector<2000x128xf32>, vector<128x128xf32>, vector<2000x128xf32> -> vector<2000x128xf32>
    %swap3A = arith.constant 0 : index
    %swap3A_6 = arith.constant 0 : index
    %swap3A_7 = vector.load %arg3[%swap3A, %swap3A_6] : memref<2000x128xf32, #tpu.memory_space<vmem>>, vector<2000x128xf32>
    tpu.vector_store %arg3[%swap3A, %swap3A_6], %dot_general3A_5 {strides = array<i32>} : memref<2000x128xf32, #tpu.memory_space<vmem>>, vector<2000x128xf32>,
    return
  }
  func.func @transform_0(%arg0: i32) -> (i32, i32) {
    %c0_i32 = arith.constant 0 : i32
    %c0_i32_0 = arith.constant 0 : i32
    return %arg0, %c0_i32 : i32, i32
  }
  func.func @transform_1(%arg0: i32) -> (i32, i32) {
    %c0_i32 = arith.constant 0 : i32
    %c0_i32_0 = arith.constant 0 : i32
    %c0_i32_1 = arith.constant 0 : i32
    return %c0_i32, %c0_i32_0 : i32, i32
  }
  func.func @transform_2(%arg0: i32) -> (i32, i32) {
    %c0_i32 = arith.constant 0 : i32
    %c0_i32_0 = arith.constant 0 : i32
    return %arg0, %c0_i32 : i32, i32
  }
}

module attributes {stable_mosaic.version = 14 : i64} {
  func.func @_tc_scale_body(%arg0: i32, %arg1: memref<2000x128xf32, #tpu.memory_space<vmem>>, %arg2: memref<2000x1xf32, #tpu.memory_space<vmem>>, %arg3: memref<2000x128xf32, #tpu.memory_space<vmem>>) attributes {dimension_semantics = [#tpu.dimension_semantics<arbitrary>], iteration_bounds = array<i64: 5>, scalar_prefetch = 0 : i64, scratch_operands = 0 : i64, tpu.core_type = #tpu.core_type<tc>, window_params = [{transform_indices = @transform_0, window_bounds = array<i64: 2000, 128>}, {transform_indices = @transform_1, window_bounds = array<i64: 2000, 1>}, {transform_indices = @transform_2, window_bounds = array<i64: 2000, 128>}]} {
    %get3A = arith.constant 0 : index
    %get3A_0 = arith.constant 0 : index
    %get3A_1 = vector.load %arg1[%get3A, %get3A_0] : memref<2000x128xf32, #tpu.memory_space<vmem>>, vector<2000x128xf32>
    %get3A_2 = arith.constant 0 : index
    %get3A_3 = arith.constant 0 : index
    %get3A_4 = vector.load %arg2[%get3A_2, %get3A_3] : memref<2000x1xf32, #tpu.memory_space<vmem>>, vector<2000x1xf32>
    %add3A = arith.constant 1.000000e+00 : f32
    %add3A_5 = vector.broadcast %add3A : f32 to vector<2000x1xf32>
    %add3A_6 = arith.addf %get3A_4, %add3A_5 : vector<2000x1xf32>
    %rsqrt3A = math.rsqrt %add3A_6 : vector<2000x1xf32>
    %mul3A = vector.broadcast %rsqrt3A : vector<2000x1xf32> to vector<2000x128xf32>
    %mul3A_7 = arith.mulf %get3A_1, %mul3A : vector<2000x128xf32>
    %swap3A = arith.constant 0 : index
    %swap3A_8 = arith.constant 0 : index
    %swap3A_9 = vector.load %arg3[%swap3A, %swap3A_8] : memref<2000x128xf32, #tpu.memory_space<vmem>>, vector<2000x128xf32>
    tpu.vector_store %arg3[%swap3A, %swap3A_8], %mul3A_7 {strides = array<i32>} : memref<2000x128xf32, #tpu.memory_space<vmem>>, vector<2000x128xf32>,
    return
  }
  func.func @transform_0(%arg0: i32) -> (i32, i32) {
    %c0_i32 = arith.constant 0 : i32
    %c0_i32_0 = arith.constant 0 : i32
    return %arg0, %c0_i32 : i32, i32
  }
  func.func @transform_1(%arg0: i32) -> (i32, i32) {
    %c0_i32 = arith.constant 0 : i32
    %c0_i32_0 = arith.constant 0 : i32
    return %arg0, %c0_i32 : i32, i32
  }
  func.func @transform_2(%arg0: i32) -> (i32, i32) {
    %c0_i32 = arith.constant 0 : i32
    %c0_i32_0 = arith.constant 0 : i32
    return %arg0, %c0_i32 : i32, i32
  }
}

module attributes {stable_mosaic.version = 14 : i64} {
  func.func @_tc_finish_body(%arg0: i32, %arg1: memref<1x2000x128xf32, #tpu.memory_space<vmem>>, %arg2: memref<1x2000x128xf32, #tpu.memory_space<vmem>>, %arg3: memref<2000x128xf32, #tpu.memory_space<vmem>>, %arg4: memref<2000x1xf32, #tpu.memory_space<vmem>>, %arg5: memref<1x128xf32, #tpu.memory_space<vmem>>, %arg6: memref<128x128xf32, #tpu.memory_space<vmem>>, %arg7: memref<1x128xf32, #tpu.memory_space<vmem>>, %arg8: memref<2000x128xf32, #tpu.memory_space<vmem>>, %arg9: memref<2000x40xf32, #tpu.memory_space<vmem>>) attributes {dimension_semantics = [#tpu.dimension_semantics<arbitrary>], iteration_bounds = array<i64: 5>, scalar_prefetch = 0 : i64, scratch_operands = 0 : i64, tpu.core_type = #tpu.core_type<tc>, window_params = [{transform_indices = @transform_0, window_bounds = array<i64: 1, 2000, 128>}, {transform_indices = @transform_1, window_bounds = array<i64: 1, 2000, 128>}, {transform_indices = @transform_2, window_bounds = array<i64: 2000, 128>}, {transform_indices = @transform_3, window_bounds = array<i64: 2000, 1>}, {pipeline_mode = #tpu.pipeline_mode<synchronous>, transform_indices = @transform_4, window_bounds = array<i64: 1, 128>}, {pipeline_mode = #tpu.pipeline_mode<synchronous>, transform_indices = @transform_5, window_bounds = array<i64: 128, 128>}, {pipeline_mode = #tpu.pipeline_mode<synchronous>, transform_indices = @transform_6, window_bounds = array<i64: 1, 128>}, {transform_indices = @transform_7, window_bounds = array<i64: 2000, 128>}, {transform_indices = @transform_8, window_bounds = array<i64: 2000, 40>}]} {
    %get3A = arith.constant 0 : index
    %get3A_0 = arith.constant 0 : index
    %get3A_1 = vector.load %arg4[%get3A, %get3A_0] : memref<2000x1xf32, #tpu.memory_space<vmem>>, vector<2000x1xf32>
    %add3A = arith.constant 1.000000e+00 : f32
    %add3A_2 = vector.broadcast %add3A : f32 to vector<2000x1xf32>
    %add3A_3 = arith.addf %get3A_1, %add3A_2 : vector<2000x1xf32>
    %rsqrt3A = math.rsqrt %add3A_3 : vector<2000x1xf32>
    %get3A_4 = arith.constant 0 : index
    %get3A_5 = arith.constant 0 : index
    %get3A_6 = arith.constant 0 : index
    %get3A_7 = vector.load %arg1[%get3A_4, %get3A_5, %get3A_6] : memref<1x2000x128xf32, #tpu.memory_space<vmem>>, vector<1x2000x128xf32>
    %get3A_8 = vector.shape_cast %get3A_7 : vector<1x2000x128xf32> to vector<2000x128xf32>
    %get3A_9 = arith.constant 0 : index
    %get3A_10 = arith.constant 0 : index
    %get3A_11 = arith.constant 0 : index
    %get3A_12 = vector.load %arg2[%get3A_9, %get3A_10, %get3A_11] : memref<1x2000x128xf32, #tpu.memory_space<vmem>>, vector<1x2000x128xf32>
    %get3A_13 = vector.shape_cast %get3A_12 : vector<1x2000x128xf32> to vector<2000x128xf32>
    %add3A_14 = arith.addf %get3A_8, %get3A_13 : vector<2000x128xf32>
    %get3A_15 = arith.constant 0 : index
    %get3A_16 = arith.constant 0 : index
    %get3A_17 = vector.load %arg3[%get3A_15, %get3A_16] : memref<2000x128xf32, #tpu.memory_space<vmem>>, vector<2000x128xf32>
    %add3A_18 = arith.addf %add3A_14, %get3A_17 : vector<2000x128xf32>
    %mul3A = vector.broadcast %rsqrt3A : vector<2000x1xf32> to vector<2000x128xf32>
    %mul3A_19 = arith.mulf %add3A_18, %mul3A : vector<2000x128xf32>
    %get3A_20 = arith.constant 0 : index
    %get3A_21 = arith.constant 0 : index
    %get3A_22 = vector.load %arg5[%get3A_20, %get3A_21] : memref<1x128xf32, #tpu.memory_space<vmem>>, vector<1x128xf32>
    %add3A_23 = vector.broadcast %get3A_22 : vector<1x128xf32> to vector<2000x128xf32>
    %add3A_24 = arith.addf %mul3A_19, %add3A_23 : vector<2000x128xf32>
    %max3A = arith.constant 0.000000e+00 : f32
    %max3A_25 = vector.broadcast %max3A : f32 to vector<2000x128xf32>
    %max3A_26 = arith.maximumf %add3A_24, %max3A_25 : vector<2000x128xf32>
    %swap3A = arith.constant 0 : index
    %swap3A_27 = arith.constant 0 : index
    %swap3A_28 = vector.load %arg8[%swap3A, %swap3A_27] : memref<2000x128xf32, #tpu.memory_space<vmem>>, vector<2000x128xf32>
    tpu.vector_store %arg8[%swap3A, %swap3A_27], %max3A_26 {strides = array<i32>} : memref<2000x128xf32, #tpu.memory_space<vmem>>, vector<2000x128xf32>,
    %get3A_29 = arith.constant 0 : index
    %get3A_30 = arith.constant 0 : index
    %get3A_31 = vector.load %arg6[%get3A_29, %get3A_30] : memref<128x128xf32, #tpu.memory_space<vmem>>, vector<128x128xf32>
    %dot_general3A = arith.constant dense<0.000000e+00> : vector<2000x128xf32>
    %dot_general3A_32 = tpu.matmul %max3A_26, %get3A_31, %dot_general3A {dimension_numbers = #tpu.dot_dimension_numbers<[1], [0], [0], [1], [0, 0, 1, 1], [], []>, transpose_lhs_hint = false} : vector<2000x128xf32>, vector<128x128xf32>, vector<2000x128xf32> -> vector<2000x128xf32>
    %get3A_33 = arith.constant 0 : index
    %get3A_34 = arith.constant 0 : index
    %get3A_35 = vector.load %arg7[%get3A_33, %get3A_34] : memref<1x128xf32, #tpu.memory_space<vmem>>, vector<1x128xf32>
    %add3A_36 = vector.broadcast %get3A_35 : vector<1x128xf32> to vector<2000x128xf32>
    %add3A_37 = arith.addf %dot_general3A_32, %add3A_36 : vector<2000x128xf32>
    %iota3A = tpu.iota {dimensions = array<i32: 1>} : vector<2000x128xi32>
    %lt3A = arith.constant 40 : i32
    %lt3A_38 = vector.broadcast %lt3A : i32 to vector<2000x128xi32>
    %lt3A_39 = arith.cmpi slt, %iota3A, %lt3A_38 : vector<2000x128xi32>
    %jit3A = arith.constant -1.000000e+30 : f32
    %broadcast_in_dim3A = vector.broadcast %jit3A : f32 to vector<2000x128xf32>
    %select_n3A = arith.select %lt3A_39, %add3A_37, %broadcast_in_dim3A : vector<2000x128xi1>, vector<2000x128xf32>
    %reduce_max3A = arith.constant dense<0xFF800000> : vector<2000xf32>
    %reduce_max3A_40 = vector.multi_reduction <maximumf>, %select_n3A, %reduce_max3A [1] : vector<2000x128xf32> to vector<2000xf32>
    %broadcast_in_dim3A_41 = vector.shape_cast %reduce_max3A_40 : vector<2000xf32> to vector<2000x1xf32>
    %sub3A = vector.broadcast %broadcast_in_dim3A_41 : vector<2000x1xf32> to vector<2000x128xf32>
    %sub3A_42 = arith.subf %select_n3A, %sub3A : vector<2000x128xf32>
    %exp3A = math.exp %sub3A_42 : vector<2000x128xf32>
    %jit3A_43 = arith.constant 0.000000e+00 : f32
    %broadcast_in_dim3A_44 = vector.broadcast %jit3A_43 : f32 to vector<2000x128xf32>
    %select_n3A_45 = arith.select %lt3A_39, %exp3A, %broadcast_in_dim3A_44 : vector<2000x128xi1>, vector<2000x128xf32>
    %sub3A_46 = vector.broadcast %broadcast_in_dim3A_41 : vector<2000x1xf32> to vector<2000x128xf32>
    %sub3A_47 = arith.subf %select_n3A, %sub3A_46 : vector<2000x128xf32>
    %reduce_sum3A = arith.constant dense<0.000000e+00> : vector<2000xf32>
    %reduce_sum3A_48 = vector.multi_reduction <add>, %select_n3A_45, %reduce_sum3A [1] : vector<2000x128xf32> to vector<2000xf32>
    %broadcast_in_dim3A_49 = vector.shape_cast %reduce_sum3A_48 : vector<2000xf32> to vector<2000x1xf32>
    %log3A = math.log %broadcast_in_dim3A_49 : vector<2000x1xf32>
    %sub3A_50 = vector.broadcast %log3A : vector<2000x1xf32> to vector<2000x128xf32>
    %sub3A_51 = arith.subf %sub3A_47, %sub3A_50 : vector<2000x128xf32>
    %slice3A = vector.extract_strided_slice %sub3A_51 {offsets = [0, 0], sizes = [2000, 40], strides = [1, 1]} : vector<2000x128xf32> to vector<2000x40xf32>
    %swap3A_52 = arith.constant 0 : index
    %swap3A_53 = arith.constant 0 : index
    %swap3A_54 = vector.load %arg9[%swap3A_52, %swap3A_53] : memref<2000x40xf32, #tpu.memory_space<vmem>>, vector<2000x40xf32>
    tpu.vector_store %arg9[%swap3A_52, %swap3A_53], %slice3A {strides = array<i32>} : memref<2000x40xf32, #tpu.memory_space<vmem>>, vector<2000x40xf32>,
    return
  }
  func.func @transform_0(%arg0: i32) -> (i32, i32, i32) {
    %c0_i32 = arith.constant 0 : i32
    %c0_i32_0 = arith.constant 0 : i32
    %c0_i32_1 = arith.constant 0 : i32
    return %c0_i32, %arg0, %c0_i32_0 : i32, i32, i32
  }
  func.func @transform_1(%arg0: i32) -> (i32, i32, i32) {
    %c1_i32 = arith.constant 1 : i32
    %c0_i32 = arith.constant 0 : i32
    %c0_i32_0 = arith.constant 0 : i32
    return %c1_i32, %arg0, %c0_i32 : i32, i32, i32
  }
  func.func @transform_2(%arg0: i32) -> (i32, i32) {
    %c0_i32 = arith.constant 0 : i32
    %c0_i32_0 = arith.constant 0 : i32
    return %arg0, %c0_i32 : i32, i32
  }
  func.func @transform_3(%arg0: i32) -> (i32, i32) {
    %c0_i32 = arith.constant 0 : i32
    %c0_i32_0 = arith.constant 0 : i32
    return %arg0, %c0_i32 : i32, i32
  }
  func.func @transform_4(%arg0: i32) -> (i32, i32) {
    %c0_i32 = arith.constant 0 : i32
    %c0_i32_0 = arith.constant 0 : i32
    %c0_i32_1 = arith.constant 0 : i32
    return %c0_i32, %c0_i32_0 : i32, i32
  }
  func.func @transform_5(%arg0: i32) -> (i32, i32) {
    %c0_i32 = arith.constant 0 : i32
    %c0_i32_0 = arith.constant 0 : i32
    %c0_i32_1 = arith.constant 0 : i32
    return %c0_i32, %c0_i32_0 : i32, i32
  }
  func.func @transform_6(%arg0: i32) -> (i32, i32) {
    %c0_i32 = arith.constant 0 : i32
    %c0_i32_0 = arith.constant 0 : i32
    %c0_i32_1 = arith.constant 0 : i32
    return %c0_i32, %c0_i32_0 : i32, i32
  }
  func.func @transform_7(%arg0: i32) -> (i32, i32) {
    %c0_i32 = arith.constant 0 : i32
    %c0_i32_0 = arith.constant 0 : i32
    return %arg0, %c0_i32 : i32, i32
  }
  func.func @transform_8(%arg0: i32) -> (i32, i32) {
    %c0_i32 = arith.constant 0 : i32
    %c0_i32_0 = arith.constant 0 : i32
    return %arg0, %c0_i32 : i32, i32
  }
}

</mosaic_0001>

<sc_bundles>
// kernel: kernel.10.cloned.1.call-start
scs
__scs_entry_jumppad:
0x0: {  	(pc) =	sbr.rel $0x88, $3  }
0x1: {  	(tag) =	ssettag $0x0;
	lr =	simm.s32 $0x1  }
0x2: {  	[smem:$0x3F9B] =	sst lr;
	_ =	strace $0xD0000000  }
0x3: {  	_ = 	snop  }
0x4: {  	_ = 	snop  }
0x5: {  	_ = 	snop  }
0x6: {  	_ = 	snop  }
0x7: {  	_ = 	snop  }
__scs_overlays_trampoline_lowered:
0x8: {  	[smem:$0x3FAA] =	sst s0  }
0x9: {  	[smem:$0x3FAB] =	sst s1  }
0xa: {  	[smem:$0x3FAC] =	sst s2  }
0xb: {  	[smem:$0x3FAD] =	sst s3  }
0xc: {  	[smem:$0x3FAE] =	sst s4  }
0xd: {  	[smem:$0x3FAF] =	sst s5  }
0xe: {  	[smem:$0x3FB0] =	sst s6  }
0xf: {  	[smem:$0x3FB1] =	sst s7  }
0x10: {  	[smem:$0x3FB2] =	sst s8  }
0x11: {  	[smem:$0x3FB3] =	sst s9;
	s0 =	simm.s32 @!p0 $0x0  }
0x12: {  	s1 =	sld [smem:$0x3F99];
	s0 =	simm.s32 @p0 $0x1  }
0x13: {  	[smem:$0x3FB4] =	sst s0;
	s0 =	simm.s32 @!p1 $0x0  }
0x14: {  	s2 =	sld [smem:$0x3F98];
	s0 =	simm.s32 @p1 $0x1  }
0x15: {  	[smem:$0x3FB5] =	sst s0;
	s0 =	simm.s32 @!p2 $0x0  }
0x16: {  	s3 =	sld [smem:$0x3FDB];
	s0 =	simm.s32 @p2 $0x1  }
0x17: {  	s4 =	simm.s32 $0x1BF5;
	[smem:$0x3FB7] =	sst s0  }
0x18: {  	s0 =	sld [smem:$0x3F9A];
	_ =	swait.ge [sflag:s4], $0x0  }
0x19: {  	s7 =	sld [smem:$0x3F9B]  }
0x1a: {  	s8 =	sadd.s32 $0xFFFFE003, lr  }
0x1b: {  	s9 =	sadd.s32 $0xFFFFFEF7, lr;
	s5 =	simm.s32 $0xFFFFFFFF;
	p2 =	slt.u32 s8, $0xFFFFF086  }
0x1c: {  	p1 =	slt.u32 s9, $0xF7A;
	s5 =	simm.s32 @!p2 $0x0  }
0x1d: {  	s5 =	simm.s32 @p1 $0x1;
	p0 =	seq.s32 s7, s2  }
0x1e: {  	s7 =	smul.u32 @!p0 $0xF7A, s2;
	p2 =	seq.s32 @!p0 s5, $0x0  }
0x1f: {  	s9 =	smul.u32 $0xF7A, s1;
	s8 =	simm.s32 @!p0 $0x1BF5;
	p2 =	por !p2, p0  }
0x20: {  	[sflag:s8] =	ssyncset.s32 @!p0 $0xFFFFF086;
	s6 =	sadd.s32 @!p0 s3, s7;
	s7 =	simm.s32 @!p0 $0x108  }
0x21: {  	s3 =	sadd.s32 s3, s9;
	s6 =	sadd.s32 @!p0 $0x88, s6;
	s7 =	simm.s32 @p2 $0x1082  }
0x22: {  	[simem:s7], [sflag:s8] =	dma.local @!p0 [hbm:s6], $0xF7A  }
0x23: {  	s9 =	sor.u32 $0xD0000000, s2;
	s6 =	simm.s32 $0x108;
	_ =	swait.ge @!p0 [sflag:s8], $0x0  }
0x24: {  	s3 =	sadd.s32 $0x88, s3;
	s6 =	simm.s32 @!p1 $0x1082;
	[sflag:s4] =	ssyncset.s32 $0xFFFFF086  }
0x25: {  	[simem:s6], [sflag:s4] =	dma.local [hbm:s3], $0xF7A  }
0x26: {  	[smem:$0x3F9B] =	sst s1;
	(tag) =	ssettag s2;
	_ =	strace s9  }
0x27: {  	s1 =	sld [smem:$0x3FAB]  }
0x28: {  	s2 =	sld [smem:$0x3FAC]  }
0x29: {  	s4 =	sld [smem:$0x3FAE]  }
0x2a: {  	p0 =	seq.s32 s5, $0x0;
	s5 =	sld [smem:$0x3FAF]  }
0x2b: {  	s6 =	sld [smem:$0x3FB0]  }
0x2c: {  	s7 =	sld [smem:$0x3FB1]  }
0x2d: {  	s3 =	simm.s32 $0x108;
	s8 =	sld [smem:$0x3FB2]  }
0x2e: {  	s3 =	simm.s32 @!p0 $0x1082;
	s9 =	sld [smem:$0x3FB3]  }
0x2f: {  	lr =	sadd.s32 s0, s3;
	s0 =	sld [smem:$0x3FAA]  }
0x30: {  	s3 =	sld [smem:$0x3FAD]  }
0x31: {  	[smem:$0x3FB6] =	sst s10  }
0x32: {  	s10 =	sld [smem:$0x3FB4];
	_ =	sdelay $0x3  }
0x33: {  	p0 =	seq.s32 s10, $0x1;
	s10 =	sld [smem:$0x3FB6];
	_ =	sdelay $0x3  }
0x34: {  	[smem:$0x3FB6] =	sst s10  }
0x35: {  	s10 =	sld [smem:$0x3FB5];
	_ =	sdelay $0x3  }
0x36: {  	p1 =	seq.s32 s10, $0x1;
	s10 =	sld [smem:$0x3FB6];
	_ =	sdelay $0x3  }
0x37: {  	[smem:$0x3FB6] =	sst s10  }
0x38: {  	s10 =	sld [smem:$0x3FB7]  }
0x39: {  	_ = 	snop;
	(pc) =	sbr.ind lr, $3  }
0x3a: {  	_ = 	snop  }
0x3b: {  	_ = 	snop  }
0x3c: {  	p2 =	seq.s32 s10, $0x1;
	s10 =	sld [smem:$0x3FB6]  }
0x3d: {  	_ =	shalt  }
0x3e: {  	_ =	shalt  }
0x3f: {  	_ =	shalt  }
0x40: {  	_ =	shalt  }
0x41: {  	_ =	shalt  }
0x42: {  	_ =	shalt  }
0x43: {  	_ =	shalt  }
0x44: {  	_ =	shalt  }
0x45: {  	_ =	shalt  }
0x46: {  	_ =	shalt  }
0x47: {  	_ =	shalt  }
0x48: {  	_ =	shalt  }
0x49: {  	_ =	shalt  }
0x4a: {  	_ =	shalt  }
0x4b: {  	_ =	shalt  }
0x4c: {  	_ =	shalt  }
0x4d: {  	_ =	shalt  }
0x4e: {  	_ =	shalt  }
0x4f: {  	_ =	shalt  }
0x50: {  	_ =	shalt  }
0x51: {  	_ =	shalt  }
0x52: {  	_ =	shalt  }
0x53: {  	_ =	shalt  }
0x54: {  	_ =	shalt  }
0x55: {  	_ =	shalt  }
0x56: {  	_ =	shalt  }
0x57: {  	_ =	shalt  }
0x58: {  	_ =	shalt  }
0x59: {  	_ =	shalt  }
0x5a: {  	_ =	shalt  }
0x5b: {  	_ =	shalt  }
0x5c: {  	_ =	shalt  }
0x5d: {  	_ =	shalt  }
0x5e: {  	_ =	shalt  }
0x5f: {  	_ =	shalt  }
0x60: {  	_ =	shalt  }
0x61: {  	_ =	shalt  }
0x62: {  	_ =	shalt  }
0x63: {  	_ =	shalt  }
0x64: {  	_ =	shalt  }
0x65: {  	_ =	shalt  }
0x66: {  	_ =	shalt  }
0x67: {  	_ =	shalt  }
0x68: {  	_ =	shalt  }
0x69: {  	_ =	shalt  }
0x6a: {  	_ =	shalt  }
0x6b: {  	_ =	shalt  }
0x6c: {  	_ =	shalt  }
0x6d: {  	_ =	shalt  }
0x6e: {  	_ =	shalt  }
0x6f: {  	_ =	shalt  }
0x70: {  	_ =	shalt  }
0x71: {  	_ =	shalt  }
0x72: {  	_ =	shalt  }
0x73: {  	_ =	shalt  }
0x74: {  	_ =	shalt  }
0x75: {  	_ =	shalt  }
0x76: {  	_ =	shalt  }
0x77: {  	_ =	shalt  }
0x78: {  	_ =	shalt  }
0x79: {  	_ =	shalt  }
0x7a: {  	_ =	shalt  }
0x7b: {  	_ =	shalt  }
0x7c: {  	_ =	shalt  }
0x7d: {  	_ =	shalt  }
0x7e: {  	_ =	shalt  }
0x7f: {  	_ =	shalt  }
0x80: {  	_ =	shalt  }
0x81: {  	_ =	shalt  }
0x82: {  	_ =	shalt  }
0x83: {  	_ =	shalt  }
0x84: {  	_ =	shalt  }
0x85: {  	_ =	shalt  }
0x86: {  	_ =	shalt  }
0x87: {  	_ =	shalt  }
.Lfunc_end0:
.L_simem_size_0:
called_computation.1_lowered:
.L_overlay_start_0:
0x88: {  	s2 =	sld [smem:$0x3FD9]  }
0x89: {  	s3 =	sld [smem:$0x3FFE];
	_ =	sdelay $0x1  }
0x8a: {  	s1 =	srdreg.scid  }
0x8b: {  	s0 =	sand.u32 $0x1, s1  }
0x8c: {  	s14 =	sshll.u32 s0, $0xA;
	s2 =	sadd.s32 s3, s2  }
0x8d: {  	s2 =	sadd.s32 s2, s14  }
0x8e: {  	[smem:$0x3FC2] =	sst s2  }
0x8f: {  	_ = 	snop  }
0x90: {  	s2 =	sld [smem:$0x3FD0];
	_ =	sdelay $0x2  }
0x91: {  	s15 =	simm.s32 $0xA;
	s4 =	simm.s32 $0x10  }
0x92: {  	[smem:s4], [sflag:s15] =	dma.local [hbm:s2], $0x1  }
0x93: {  	_ =	swait.eq [sflag:s15], $0x1  }
0x94: {  	[sflag:s15] =	ssyncset.done $0x0  }
0x95: {  	[sflag:s15] =	ssyncadd.s32 $0xFFFFFFFF  }
0x96: {  	s16 =	sld [smem:$0x10];
	(tm) =	ssettm $0x1  }
0x97: {  	s17 =	sld [smem:$0x3FFB];
	_ =	sdelay $0x3  }
0x98: {  	_ =	strace s17  }
0x99: {  	s3 =	sld [smem:$0x3FFC];
	_ =	sdelay $0x3  }
0x9a: {  	_ =	strace s3  }
0x9b: {  	s3 =	sld [smem:$0x3FFD];
	_ =	sdelay $0x3  }
0x9c: {  	_ =	strace s3  }
0x9d: {  	_ =	strace $0x8FFFFFFF  }
0x9e: {  	s18 =	sld [smem:$0x3FDB];
	_ =	sdelay $0x1  }
0x9f: {  	s19 =	simm.s32 $_scs_section_size  }
0xa0: {  	s5 =	simm.s32 $_size__tile_overlayer_lowered;
	s6 =	simm.s32 $_tile_overlayer_lowered  }
0xa1: {  	s22 =	simm.s32 $0x1BFF;
	s21 =	sshll.u32 s6, $0x1;
	s3 =	sadd.s32 s19, s18  }
0xa2: {  	s7 =	simm.s32 $0x0;
	s20 =	sshll.u32 s5, $0x1;
	s5 =	sadd.s32 s21, s3  }
0xa3: {  	[timem:s7], [sflag:s22] =	dma.local [hbm:s5], s20  }
0xa4: {  	_ =	swait.ge [sflag:s22], s20  }
0xa5: {  	s4 =	ssub.s32 $0x0, s20;
	[sflag:s22] =	ssyncset.done $0x0  }
0xa6: {  	[sflag:s22] =	ssyncadd.s32 s4;
	_ =	sdelay $0x1  }
0xa7: {  	s23 =	simm.s32 $0x1B8B  }
0xa8: {  	_ =	swait.ge [sflag:s23], $0x1  }
0xa9: {  	[sflag:s23] =	ssyncset.done $0x0  }
0xaa: {  	s25 =	simm.s32 $0x1B8E;
	s24 =	sld [smem:$0x3FFE];
	[sflag:s23] =	ssyncadd.s32 $0xFFFFFFFF  }
0xab: {  	s26 =	simm.s32 $execute0_lowered;
	[smem:$0x3FD2] =	sst s25  }
0xac: {  	s5 =	sshll.u32 s26, $0x1;
	_ =	strace $0x80000049;
	[dreg:$0x1] =	wrdreg $0xFFFFFFFF  }
0xad: {  	s28 =	simm.s32 $_size_execute0_lowered;
	s3 =	sadd.s32 s3, s5;
	[dreg:$0x0] =	wrdreg $0x0  }
0xae: {  	s5 =	sshll.u32 s28, $0x1;
	[dreg:$0x2] =	wrdreg s3  }
0xaf: {  	[dreg:$0x3] =	wrdreg s5  }
0xb0: {  	[dreg:$0x4] =	wrdreg $0xC0  }
0xb1: {  	_ =	task [dreg:s7], $0x5FFFF  }
0xb2: {  	[dreg:$0x1] =	wrdreg $0xFFFFFFFF  }
0xb3: {  	[dreg:$0x0] =	wrdreg $0x60  }
0xb4: {  	[dreg:$0x2] =	wrdreg s16  }
0xb5: {  	[dreg:$0x3] =	wrdreg s24  }
0xb6: {  	[dreg:$0x4] =	wrdreg $0xA1000  }
0xb7: {  	[dreg:$0x5] =	wrdreg $0x9  }
0xb8: {  	_ =	task.clear_ibuf [dreg:s7], $0x6FFFF;
	_ =	strace $0x90000049  }
0xb9: {  	s29 =	simm.s32 $0x9;
	_ =	strace $0x8000004B  }
0xba: {  	_ =	swait.ge [sflag:s29], $0x1  }
0xbb: {  	[sflag:s29] =	ssyncadd.s32 $0xFFFFFFFF  }
0xbc: {  	_ =	strace $0x9000004B  }
0xbd: {  	_ =	sfence  }
0xbe: {  	s30 =	sld [smem:$0x0];
	_ =	sdelay $0x2  }
0xbf: {  	s31 =	sshll.u32 s1, $0xD;
	s1 =	sshrl.u32 s1, $0x2  }
0xc0: {  	s3 =	sand.u32 $0x4000, s31;
	s1 =	sadd.s32 s1, s30  }
0xc1: {  	s0 =	sor.u32 s3, s0;
	s1 =	sshll.u32 s1, $0x11  }
0xc2: {  	s0 =	sor.u32 s1, s0  }
0xc3: {  	s0 =	sadd.s32 $0x8F2B, s0  }
0xc4: {  	[sflag:s0] =	ssyncadd.remote.s32 $0x1  }
0xc5: {  	_ =	sfence.sel $0xFFFF  }
0xc6: {  	[dreg:$0x0] =	wrdreg $0xFFFFFFFF;
	(pc) =	sbr.abs _section_cstart, $3  }
0xc7: {  	[dreg:$0x1] =	wrdreg $0xFFFFFFFF  }
0xc8: {  	_ =	task.clear_ibuf [dreg:s7], $0x2FFFF;
	_ =	strace $0x9FFFFFFF  }
0xc9: {  	(tm) =	ssettm $0x7FFFFFFF  }
tec
execute0_lowered:
.L_overlay_start_1:
0x0: {  	(tag) =	ssettag $0x1  }
0x1: {  	s1 =	rddreg [dreg:$0x0]  }
0x2: {  	s0 =	rddreg [dreg:$0x1]  }
0x3: {  	s2 =	rddreg [dreg:$0x2];
	s3 =	srdreg.scid;
	s4 =	simm.s32 $0x0  }
0x4: {  	s10 =	stileid.u32;
	s28 =	simm.s32 $0x2780;
	s29 =	simm.s32 $0x50  }
0x5: {  	s30 =	simm.s32 $0x2800;
	s31 =	simm.s32 $0x5100;
	s7 =	smul.u32 $0x14000, s10  }
0x6: {  	s3 =	sand.u32 $0x1, s3;
	[smem:$0x7FF] =	sst s4;
	s11 =	smul.u32 $0x50000, s10  }
0x7: {  	s8 =	sadd.s32 $0x1E00, s0;
	s16 =	smul.u32 $0x2710, s10;
	s6 =	sshll.u32 s3, $0x4  }
0x8: {  	s5 =	smul.u32 $0x140000, s3;
	s25 =	ssub.s32 $0x2, s3;
	s6 =	sor.u32 s10, s6  }
0x9: {  	_ =	strace $0x8000004A;
	s9 =	sshrl.u32 s25, $0x1;
	s6 =	smul.u32 $0x2710, s6  }
0xa: {  	s3 =	smul.u32 $0x27100, s3;
	s5 =	sadd.s32 s7, s5;
	s7 =	ssub.s32 s25, s9  }
0xb: {  	s5 =	sshrl.u32 s5, $0x3;
	s15 =	smax.u32 s7, $0x1;
	s6 =	sshrl.u32 s6, $0x3  }
0xc: {  	s0 =	sadd.s32 s5, s0;
	[dreg:$0xb] =	wrdreg s15;
	s26 =	sadd.s32 s8, s6  }
0xd: {  	s14 =	sshrl.u32 s11, $0x2;
	s0 =	sadd.s32 $0x15800, s0;
	[dreg:$0x4] =	wrdreg s26  }
0xe: {  	s10 =	simm.s32 $0x7;
	s6 =	sadd.s32 $0x9C40, s26;
	[dreg:$0xa] =	wrdreg s0  }
0xf: {  	s11 =	simm.s32 $0x3;
	s9 =	sadd.s32 $0x9C4A, s26;
	[dreg:$0x5] =	wrdreg s6  }
0x10: {  	s7 =	simm.s32 $0x7900;
	s12 =	sadd.s32 $0x9C54, s26;
	[dreg:$0x6] =	wrdreg s9  }
0x11: {  	s15 =	simm.s32 $0x9;
	s13 =	sadd.s32 $0x9C5E, s26;
	[dreg:$0x7] =	wrdreg s12  }
0x12: {  	s5 =	sadd.s32 $0x9C68, s26;
	s0 =	sadd.s32 s16, s3;
	[dreg:$0x8] =	wrdreg s13  }
0x13: {  	s16 =	simm.s32 $0x0;
	[dreg:$0x9] =	wrdreg s5;
	s12 =	sadd.s32 s14, s2  }
0x14: {  	s24 =	sadd.s32 $0x4E430, s0;
	s25 =	sadd.s32 $0x4E3E0, s0;
	s0 =	sadd.s32 $0x4E390, s0  }
0x15: {  	s6 =	simm.s32 $0x2880;
	s9 =	simm.s32 $0x5;
	s17 =	sadd.s32 $0x2800, s12  }
0x16: {  	s13 =	simm.s32 $0x6;
	s18 =	sadd.s32 $0x5000, s12;
	[dreg:$0xc] =	wrdreg s17  }
0x17: {  	s14 =	simm.s32 $0x8;
	s19 =	sadd.s32 $0x7800, s12;
	[dreg:$0xd] =	wrdreg s18  }
0x18: {  	s20 =	sadd.s32 $0xA000, s12;
	s21 =	sadd.s32 $0xC800, s12;
	[dreg:$0xe] =	wrdreg s19  }
0x19: {  	s22 =	sadd.s32 $0xF000, s12;
	s23 =	sadd.s32 $0x11800, s12;
	[dreg:$0xf] =	wrdreg s20  }
0x1a: {  	s3 =	sshrl.u32 s24, $0x3;
	s26 =	sshrl.u32 s25, $0x3;
	[dreg:$0x10] =	wrdreg s21  }
0x1b: {  	s0 =	sshrl.u32 s0, $0x3;
	s24 =	simm.s32 $0x2900;
	[dreg:$0x11] =	wrdreg s22  }
0x1c: {  	s25 =	simm.s32 $0xB;
	[dreg:$0x12] =	wrdreg s23;
	s21 =	sadd.s32 s3, s8  }
0x1d: {  	s22 =	sadd.s32 s26, s8;
	s23 =	sadd.s32 s0, s8;
	s26 =	simm.s32 $0xA  }
0x1e: {  	v0 =	vimm.f32 $0.0e+00;
	s0 =	simm.s32 $0x1;
	s3 =	simm.s32 $0x4;
	s8 =	simm.s32 $0x2  }
.LBB2_1:
0x1f: {  	s5 =	rddreg [dreg:$0x4];
	s17 =	simm.s32 $0x0;
	s18 =	simm.s32 $0x200  }
0x20: {  	[tilespmem:s4], [sflag:$0xA] =	stream.linear.gather [hbm4b:s5+s4], $0x2710, $0x38;
	[tilespmem:$0x1E100] =	vst v63  }
.LBB2_2:
0x21: {  	p0 =	sne.s32 s18, $0x9E00;
	[tilespmem:s17+$0x2970] =	vst v0  }
0x22: {  	[tilespmem:s17+$0x2900] =	vst v0  }
0x23: {  	[tilespmem:s17+$0x2910] =	vst v0  }
.Ltmp0:
0x24: {  	[tilespmem:s17+$0x2920] =	vst v0;
	(pc) =	sbr.rel @p0 .LBB2_2-.Ltmp0, $4  }
0x25: {  	[tilespmem:s17+$0x2930] =	vst v0  }
0x26: {  	[tilespmem:s17+$0x2940] =	vst v0  }
0x27: {  	[tilespmem:s17+$0x2950] =	vst v0  }
0x28: {  	[tilespmem:s17+$0x2960] =	vst v0;
	s17 =	sshra.s32 s18, $0x2;
	s18 =	sadd.s32 $0x200, s18  }
0x29: {  	[tilespmem:s17+$0x2970] =	vst v0  }
0x2a: {  	[tilespmem:s17+$0x2900] =	vst v0  }
0x2b: {  	[tilespmem:s17+$0x2910] =	vst v0  }
0x2c: {  	[tilespmem:s17+$0x2920] =	vst v0  }
0x2d: {  	[tilespmem:s17+$0x2930] =	vst v0  }
0x2e: {  	[tilespmem:s17+$0x2940] =	vst v0  }
0x2f: {  	[tilespmem:s17+$0x2950] =	vst v0  }
0x30: {  	[tilespmem:s17+$0x2960] =	vst v0  }
0x31: {  	[spmem:s12] =	stream.linear.scatter [tilespmem:s24], [sflag:$0xB], $0x2800, $0x38;
	[tilespmem:$0x1E100] =	vst v63  }
0x32: {  	_ =	swait.ge [sflag:s25], $0x2800  }
0x33: {  	[sflag:s25] =	ssyncset.done $0x0  }
0x34: {  	s5 =	rddreg [dreg:$0xc];
	[sflag:s25] =	ssyncadd.s32 $0xFFFFD800  }
0x35: {  	[spmem:s5] =	stream.linear.scatter [tilespmem:s24], [sflag:$0xB], $0x2800, $0x38;
	[tilespmem:$0x1E100] =	vst v63  }
0x36: {  	_ =	swait.ge [sflag:s25], $0x2800  }
0x37: {  	[sflag:s25] =	ssyncset.done $0x0  }
0x38: {  	s20 =	rddreg [dreg:$0xd];
	[sflag:s25] =	ssyncadd.s32 $0xFFFFD800  }
0x39: {  	[spmem:s20] =	stream.linear.scatter [tilespmem:s24], [sflag:$0xB], $0x2800, $0x38;
	[tilespmem:$0x1E100] =	vst v63  }
0x3a: {  	_ =	swait.ge [sflag:s25], $0x2800  }
0x3b: {  	[sflag:s25] =	ssyncset.done $0x0  }
0x3c: {  	s17 =	rddreg [dreg:$0xe];
	[sflag:s25] =	ssyncadd.s32 $0xFFFFD800  }
0x3d: {  	[spmem:s17] =	stream.linear.scatter [tilespmem:s24], [sflag:$0xB], $0x2800, $0x38;
	[tilespmem:$0x1E100] =	vst v63  }
0x3e: {  	_ =	swait.ge [sflag:s25], $0x2800  }
0x3f: {  	[sflag:s25] =	ssyncset.done $0x0  }
0x40: {  	s18 =	rddreg [dreg:$0xf];
	[sflag:s25] =	ssyncadd.s32 $0xFFFFD800  }
0x41: {  	[spmem:s18] =	stream.linear.scatter [tilespmem:s24], [sflag:$0xB], $0x2800, $0x38;
	[tilespmem:$0x1E100] =	vst v63  }
0x42: {  	_ =	swait.ge [sflag:s25], $0x2800  }
0x43: {  	[sflag:s25] =	ssyncset.done $0x0  }
0x44: {  	s19 =	rddreg [dreg:$0x10];
	[sflag:s25] =	ssyncadd.s32 $0xFFFFD800  }
0x45: {  	[spmem:s19] =	stream.linear.scatter [tilespmem:s24], [sflag:$0xB], $0x2800, $0x38;
	[tilespmem:$0x1E100] =	vst v63  }
0x46: {  	_ =	swait.ge [sflag:s25], $0x2800  }
0x47: {  	[sflag:s25] =	ssyncset.done $0x0  }
0x48: {  	s20 =	rddreg [dreg:$0x11];
	[sflag:s25] =	ssyncadd.s32 $0xFFFFD800  }
0x49: {  	[spmem:s20] =	stream.linear.scatter [tilespmem:s24], [sflag:$0xB], $0x2800, $0x38;
	[tilespmem:$0x1E100] =	vst v63  }
0x4a: {  	_ =	swait.ge [sflag:s25], $0x2800  }
0x4b: {  	[sflag:s25] =	ssyncset.done $0x0  }
0x4c: {  	s17 =	rddreg [dreg:$0x12];
	[sflag:s25] =	ssyncadd.s32 $0xFFFFD800  }
0x4d: {  	[spmem:s17] =	stream.linear.scatter [tilespmem:s24], [sflag:$0xB], $0x2800, $0x38;
	[tilespmem:$0x1E100] =	vst v63  }
0x4e: {  	_ =	swait.ge [sflag:s25], $0x2800  }
0x4f: {  	[sflag:s25] =	ssyncset.done $0x0  }
0x50: {  	[sflag:s25] =	ssyncadd.s32 $0xFFFFD800  }
0x51: {  	_ =	swait.ge [sflag:s26], $0x2710  }
0x52: {  	[sflag:s26] =	ssyncset.done $0x0  }
0x53: {  	[sflag:s26] =	ssyncadd.s32 $0xFFFFD8F0  }
0x54: {  	[bflag:$0x0] =	sbarrier.arrive $0xFFFF  }
0x55: {  	s17 =	simm.s32 $0x0;
	s18 =	rddreg [dreg:$0x5]  }
0x56: {  	[tilespmem:s28], [sflag:$0x1] =	stream.linear.gather [hbm4b:s18+s17], $0x50, $0x38;
	[tilespmem:$0x1E100] =	vst v63  }
0x57: {  	_ = 	snop  }
0x58: {  	[tilespmem:s24], [sflag:$0x4] =	stream.indirect.gather [hbm4b:s1+s29], $0x80, s17, s29, $0xb8;
	[tilespmem:$0x1E100] =	vst v63  }
0x59: {  	s19 =	rddreg [dreg:$0x6]  }
0x5a: {  	[tilespmem:s30], [sflag:$0x2] =	stream.linear.gather [hbm4b:s19+s17], $0x50, $0x38;
	[tilespmem:$0x1E100] =	vst v63  }
0x5b: {  	_ = 	snop  }
0x5c: {  	[tilespmem:s31], [sflag:$0x5] =	stream.indirect.gather [hbm4b:s1+s29], $0x80, s29, s29, $0xb8;
	[tilespmem:$0x1E100] =	vst v63  }
0x5d: {  	_ =	swait.ge [sflag:s0], $0x50  }
0x5e: {  	[sflag:s0] =	ssyncset.done $0x0  }
0x5f: {  	[sflag:s0] =	ssyncadd.s32 $0xFFFFFFB0  }
0x60: {  	_ =	swait.ge [sflag:s3], $0x2800  }
0x61: {  	[sflag:s3] =	ssyncset.done $0x0  }
0x62: {  	[sflag:s3] =	ssyncadd.s32 $0xFFFFD800  }
0x63: {  	[spmem:s2] =	stream.indirect.scatter.add.f32 [tilespmem:s24], [sflag:$0x7], $0x80, s28, s29, $0xb8;
	[tilespmem:$0x1E100] =	vst v63  }
0x64: {  	s20 =	rddreg [dreg:$0x7]  }
0x65: {  	[tilespmem:s6], [sflag:$0x3] =	stream.linear.gather [hbm4b:s20+s17], $0x50, $0x38;
	[tilespmem:$0x1E100] =	vst v63  }
0x66: {  	s18 =	simm.s32 $0xA0  }
0x67: {  	[tilespmem:s7], [sflag:$0x6] =	stream.indirect.gather [hbm4b:s1+s29], $0x80, s18, s29, $0xb8;
	[tilespmem:$0x1E100] =	vst v63  }
0x68: {  	_ =	swait.ge [sflag:s8], $0x50  }
0x69: {  	[sflag:s8] =	ssyncset.done $0x0  }
0x6a: {  	[sflag:s8] =	ssyncadd.s32 $0xFFFFFFB0  }
0x6b: {  	_ =	swait.ge [sflag:s9], $0x2800  }
0x6c: {  	[sflag:s9] =	ssyncset.done $0x0  }
0x6d: {  	[sflag:s9] =	ssyncadd.s32 $0xFFFFD800  }
0x6e: {  	[spmem:s2] =	stream.indirect.scatter.add.f32 [tilespmem:s31], [sflag:$0x8], $0x80, s30, s29, $0xb8;
	[tilespmem:$0x1E100] =	vst v63  }
0x6f: {  	_ =	swait.ge [sflag:s10], $0x2800  }
0x70: {  	[sflag:s10] =	ssyncset.done $0x0  }
0x71: {  	s19 =	rddreg [dreg:$0x8];
	[sflag:s10] =	ssyncadd.s32 $0xFFFFD800  }
0x72: {  	[tilespmem:s28], [sflag:$0x1] =	stream.linear.gather [hbm4b:s19+s17], $0x50, $0x38;
	[tilespmem:$0x1E100] =	vst v63  }
0x73: {  	s20 =	simm.s32 $0xF0  }
0x74: {  	[tilespmem:s24], [sflag:$0x4] =	stream.indirect.gather [hbm4b:s1+s29], $0x80, s20, s29, $0xb8;
	[tilespmem:$0x1E100] =	vst v63  }
0x75: {  	_ =	swait.ge [sflag:s11], $0x50  }
0x76: {  	[sflag:s11] =	ssyncset.done $0x0  }
0x77: {  	[sflag:s11] =	ssyncadd.s32 $0xFFFFFFB0  }
0x78: {  	_ =	swait.ge [sflag:s13], $0x2800  }
0x79: {  	[sflag:s13] =	ssyncset.done $0x0  }
0x7a: {  	[sflag:s13] =	ssyncadd.s32 $0xFFFFD800  }
0x7b: {  	[spmem:s2] =	stream.indirect.scatter.add.f32 [tilespmem:s7], [sflag:$0x9], $0x80, s6, s29, $0xb8;
	[tilespmem:$0x1E100] =	vst v63  }
0x7c: {  	_ =	swait.ge [sflag:s14], $0x2800  }
0x7d: {  	[sflag:s14] =	ssyncset.done $0x0  }
0x7e: {  	s18 =	rddreg [dreg:$0x9];
	[sflag:s14] =	ssyncadd.s32 $0xFFFFD800  }
0x7f: {  	[tilespmem:s30], [sflag:$0x2] =	stream.linear.gather [hbm4b:s18+s17], $0x50, $0x38;
	[tilespmem:$0x1E100] =	vst v63  }
0x80: {  	s19 =	simm.s32 $0x140  }
0x81: {  	[tilespmem:s31], [sflag:$0x5] =	stream.indirect.gather [hbm4b:s1+s29], $0x80, s19, s29, $0xb8;
	[tilespmem:$0x1E100] =	vst v63  }
0x82: {  	_ =	swait.ge [sflag:s0], $0x50  }
0x83: {  	[sflag:s0] =	ssyncset.done $0x0  }
0x84: {  	[sflag:s0] =	ssyncadd.s32 $0xFFFFFFB0  }
0x85: {  	_ =	swait.ge [sflag:s3], $0x2800  }
0x86: {  	[sflag:s3] =	ssyncset.done $0x0  }
0x87: {  	[sflag:s3] =	ssyncadd.s32 $0xFFFFD800  }
0x88: {  	[spmem:s2] =	stream.indirect.scatter.add.f32 [tilespmem:s24], [sflag:$0x7], $0x80, s28, s29, $0xb8;
	[tilespmem:$0x1E100] =	vst v63  }
0x89: {  	_ =	swait.ge [sflag:s15], $0x2800  }
0x8a: {  	[sflag:s15] =	ssyncset.done $0x0  }
0x8b: {  	s20 =	sadd.s32 $0x0, s23;
	[sflag:s15] =	ssyncadd.s32 $0xFFFFD800  }
0x8c: {  	[tilespmem:s6], [sflag:$0x3] =	stream.linear.gather [hbm4b:s20+s4], $0x50, $0x38;
	[tilespmem:$0x1E100] =	vst v63  }
0x8d: {  	s5 =	simm.s32 $0x190  }
0x8e: {  	[tilespmem:s7], [sflag:$0x6] =	stream.indirect.gather [hbm4b:s1+s29], $0x80, s5, s29, $0xb8;
	[tilespmem:$0x1E100] =	vst v63  }
0x8f: {  	_ =	swait.ge [sflag:s8], $0x50  }
0x90: {  	[sflag:s8] =	ssyncset.done $0x0  }
0x91: {  	[sflag:s8] =	ssyncadd.s32 $0xFFFFFFB0  }
0x92: {  	_ =	swait.ge [sflag:s9], $0x2800  }
0x93: {  	[sflag:s9] =	ssyncset.done $0x0  }
0x94: {  	[sflag:s9] =	ssyncadd.s32 $0xFFFFD800  }
0x95: {  	[spmem:s2] =	stream.indirect.scatter.add.f32 [tilespmem:s31], [sflag:$0x8], $0x80, s30, s29, $0xb8;
	[tilespmem:$0x1E100] =	vst v63  }
0x96: {  	_ =	swait.ge [sflag:s10], $0x2800  }
0x97: {  	[sflag:s10] =	ssyncset.done $0x0  }
0x98: {  	s18 =	sadd.s32 $0x0, s22;
	[sflag:s10] =	ssyncadd.s32 $0xFFFFD800  }
0x99: {  	[tilespmem:s28], [sflag:$0x1] =	stream.linear.gather [hbm4b:s18+s4], $0x50, $0x38;
	[tilespmem:$0x1E100] =	vst v63  }
0x9a: {  	s19 =	simm.s32 $0x1E0  }
0x9b: {  	[tilespmem:s24], [sflag:$0x4] =	stream.indirect.gather [hbm4b:s1+s29], $0x80, s19, s29, $0xb8;
	[tilespmem:$0x1E100] =	vst v63  }
0x9c: {  	_ =	swait.ge [sflag:s11], $0x50  }
0x9d: {  	[sflag:s11] =	ssyncset.done $0x0  }
0x9e: {  	[sflag:s11] =	ssyncadd.s32 $0xFFFFFFB0  }
0x9f: {  	_ =	swait.ge [sflag:s13], $0x2800  }
0xa0: {  	[sflag:s13] =	ssyncset.done $0x0  }
0xa1: {  	[sflag:s13] =	ssyncadd.s32 $0xFFFFD800  }
0xa2: {  	[spmem:s2] =	stream.indirect.scatter.add.f32 [tilespmem:s7], [sflag:$0x9], $0x80, s6, s29, $0xb8;
	[tilespmem:$0x1E100] =	vst v63  }
0xa3: {  	_ =	swait.ge [sflag:s14], $0x2800  }
0xa4: {  	s17 =	simm.s32 $0x230;
	s20 =	sadd.s32 $0x0, s21;
	[sflag:s14] =	ssyncset.done $0x0  }
0xa5: {  	s18 =	simm.s32 $0x1E;
	s19 =	simm.s32 $0x320;
	[sflag:s14] =	ssyncadd.s32 $0xFFFFD800  }
0xa6: {  	[tilespmem:s30], [sflag:$0x2] =	stream.linear.gather [hbm4b:s20+s4], $0x50, $0x38;
	[tilespmem:$0x1E100] =	vst v63  }
.LBB2_4:
0xa7: {  	[tilespmem:s31], [sflag:$0x5] =	stream.indirect.gather [hbm4b:s1+s29], $0x80, s17, s29, $0xb8;
	[tilespmem:$0x1E100] =	vst v63  }
0xa8: {  	s20 =	smov.u32 s18;
	s17 =	smov.u32 s19  }
0xa9: {  	p0 =	sne.s32 s18, $0x492;
	s18 =	sadd.s32 $0x1E, s18;
	_ =	swait.ge [sflag:s0], $0x50  }
0xaa: {  	[sflag:s0] =	ssyncset.done $0x0  }
0xab: {  	[sflag:s0] =	ssyncadd.s32 $0xFFFFFFB0  }
0xac: {  	_ =	swait.ge [sflag:s3], $0x2800  }
0xad: {  	[sflag:s3] =	ssyncset.done $0x0  }
0xae: {  	[sflag:s3] =	ssyncadd.s32 $0xFFFFD800  }
0xaf: {  	[spmem:s2] =	stream.indirect.scatter.add.f32 [tilespmem:s24], [sflag:$0x7], $0x80, s28, s29, $0xb8;
	[tilespmem:$0x1E100] =	vst v63  }
0xb0: {  	_ =	swait.ge [sflag:s15], $0x2800  }
0xb1: {  	[sflag:s15] =	ssyncset.done $0x0  }
0xb2: {  	s5 =	sadd.s32 s20, s23;
	[sflag:s15] =	ssyncadd.s32 $0xFFFFD800  }
0xb3: {  	[tilespmem:s6], [sflag:$0x3] =	stream.linear.gather [hbm4b:s5+s4], $0x50, $0x38;
	[tilespmem:$0x1E100] =	vst v63  }
0xb4: {  	s5 =	sadd.s32 $0xFFFFFF60, s19  }
0xb5: {  	[tilespmem:s7], [sflag:$0x6] =	stream.indirect.gather [hbm4b:s1+s29], $0x80, s5, s29, $0xb8;
	[tilespmem:$0x1E100] =	vst v63  }
0xb6: {  	_ =	swait.ge [sflag:s8], $0x50  }
0xb7: {  	[sflag:s8] =	ssyncset.done $0x0  }
0xb8: {  	[sflag:s8] =	ssyncadd.s32 $0xFFFFFFB0  }
0xb9: {  	_ =	swait.ge [sflag:s9], $0x2800  }
0xba: {  	[sflag:s9] =	ssyncset.done $0x0  }
0xbb: {  	[sflag:s9] =	ssyncadd.s32 $0xFFFFD800  }
0xbc: {  	[spmem:s2] =	stream.indirect.scatter.add.f32 [tilespmem:s31], [sflag:$0x8], $0x80, s30, s29, $0xb8;
	[tilespmem:$0x1E100] =	vst v63  }
0xbd: {  	_ =	swait.ge [sflag:s10], $0x2800  }
0xbe: {  	[sflag:s10] =	ssyncset.done $0x0  }
0xbf: {  	s5 =	sadd.s32 s20, s22;
	[sflag:s10] =	ssyncadd.s32 $0xFFFFD800  }
0xc0: {  	[tilespmem:s28], [sflag:$0x1] =	stream.linear.gather [hbm4b:s5+s4], $0x50, $0x38;
	[tilespmem:$0x1E100] =	vst v63  }
0xc1: {  	s5 =	sadd.s32 $0xFFFFFFB0, s19  }
0xc2: {  	[tilespmem:s24], [sflag:$0x4] =	stream.indirect.gather [hbm4b:s1+s29], $0x80, s5, s29, $0xb8;
	[tilespmem:$0x1E100] =	vst v63  }
0xc3: {  	_ =	swait.ge [sflag:s11], $0x50  }
0xc4: {  	[sflag:s11] =	ssyncset.done $0x0  }
0xc5: {  	[sflag:s11] =	ssyncadd.s32 $0xFFFFFFB0  }
0xc6: {  	_ =	swait.ge [sflag:s13], $0x2800  }
0xc7: {  	[sflag:s13] =	ssyncset.done $0x0  }
0xc8: {  	[sflag:s13] =	ssyncadd.s32 $0xFFFFD800  }
0xc9: {  	[spmem:s2] =	stream.indirect.scatter.add.f32 [tilespmem:s7], [sflag:$0x9], $0x80, s6, s29, $0xb8;
	[tilespmem:$0x1E100] =	vst v63  }
.Ltmp1:
0xca: {  	_ =	swait.ge [sflag:s14], $0x2800;
	(pc) =	sbr.rel @p0 .LBB2_4-.Ltmp1, $4  }
0xcb: {  	[sflag:s14] =	ssyncset.done $0x0  }
0xcc: {  	s5 =	sadd.s32 s20, s21;
	[sflag:s14] =	ssyncadd.s32 $0xFFFFD800  }
0xcd: {  	[tilespmem:s30], [sflag:$0x2] =	stream.linear.gather [hbm4b:s5+s4], $0x50, $0x38;
	[tilespmem:$0x1E100] =	vst v63  }
0xce: {  	s19 =	sadd.s32 $0xF0, s19  }
0xcf: {  	[tilespmem:s31], [sflag:$0x5] =	stream.indirect.gather [hbm4b:s1+s29], $0x80, s17, s29, $0xb8;
	[tilespmem:$0x1E100] =	vst v63  }
0xd0: {  	_ =	swait.ge [sflag:s0], $0x50  }
0xd1: {  	[sflag:s0] =	ssyncset.done $0x0  }
0xd2: {  	[sflag:s0] =	ssyncadd.s32 $0xFFFFFFB0  }
0xd3: {  	_ =	swait.ge [sflag:s3], $0x2800  }
0xd4: {  	[sflag:s3] =	ssyncset.done $0x0  }
0xd5: {  	[sflag:s3] =	ssyncadd.s32 $0xFFFFD800  }
0xd6: {  	[spmem:s2] =	stream.indirect.scatter.add.f32 [tilespmem:s24], [sflag:$0x7], $0x80, s28, s29, $0xb8;
	[tilespmem:$0x1E100] =	vst v63  }
0xd7: {  	_ =	swait.ge [sflag:s8], $0x50  }
0xd8: {  	[sflag:s8] =	ssyncset.done $0x0  }
0xd9: {  	[sflag:s8] =	ssyncadd.s32 $0xFFFFFFB0  }
0xda: {  	_ =	swait.ge [sflag:s9], $0x2800  }
0xdb: {  	[sflag:s9] =	ssyncset.done $0x0  }
0xdc: {  	[sflag:s9] =	ssyncadd.s32 $0xFFFFD800  }
0xdd: {  	[spmem:s2] =	stream.indirect.scatter.add.f32 [tilespmem:s31], [sflag:$0x8], $0x80, s30, s29, $0xb8;
	[tilespmem:$0x1E100] =	vst v63  }
0xde: {  	_ =	swait.ge [sflag:s15], $0x2800  }
0xdf: {  	[sflag:s15] =	ssyncset.done $0x0  }
0xe0: {  	[sflag:s15] =	ssyncadd.s32 $0xFFFFD800  }
0xe1: {  	_ =	swait.ge [sflag:s10], $0x2800  }
0xe2: {  	[sflag:s10] =	ssyncset.done $0x0  }
0xe3: {  	[sflag:s10] =	ssyncadd.s32 $0xFFFFD800  }
0xe4: {  	_ =	swait.ge [sflag:s14], $0x2800  }
0xe5: {  	[sflag:s14] =	ssyncset.done $0x0  }
0xe6: {  	s5 =	stileid.u32;
	[sflag:s14] =	ssyncadd.s32 $0xFFFFD800  }
0xe7: {  	s5 =	sshll.u32 s5, $0x6;
	[bflag:$0x0] =	sbarrier.arrive $0xFFFF  }
0xe8: {  	s19 =	sshrl.u32 s12, $0x3;
	s5 =	sor.u32 $0x1C0B, s5;
	s18 =	rddreg [dreg:$0xa]  }
0xe9: {  	[hbm:s18], [sflag:s5] =	dma.local [spmem:s19], $0x2800  }
0xea: {  	_ =	swait.ge [sflag:s25], $0x2800  }
0xeb: {  	s16 =	sadd.s32 $0x1, s16;
	s20 =	rddreg [dreg:$0xb]  }
0xec: {  	p0 =	sne.s32 s16, s20  }
.Ltmp2:
0xed: {  	_ = 	snop;
	(pc) =	sbr.rel @p0 .LBB2_1-.Ltmp2, $3  }
0xee: {  	_ =	sdelay $0x1  }
0xef: {  	[sflag:s25] =	ssyncset.done $0x0  }
0xf0: {  	[sflag:s25] =	ssyncadd.s32 $0xFFFFD800  }
0xf1: {  	_ =	sfence.sel $0x180000  }
0xf2: {  	[bflag:$0x0] =	sbarrier.arrive $0xFFFF  }
0xf3: {  	_ =	strace $0x9000004A  }
0xf4: {  	s0 =	stileid.u32;
	[bflag:$0x2] =	sbarrier.arrive $0xFFFF  }
0xf5: {  	p0 =	sne.s32 s0, $0x0;
	s0 =	rddreg [dreg:$0x3]  }
0xf6: {  	s0 =	sadd.s32 @!p0 $0x100000, s0  }
0xf7: {  	[sflag:s0] =	ssyncadd.tile.s32 @!p0 $0x1;
	_ =	shalt  }
.Lfunc_end2:
_tile_overlayer_lowered:
.L_overlay_start_2:
0xf8: {  	(tag) =	ssettag $0x2  }
0xf9: {  	s0 =	rddreg [dreg:$0x0];
	s2 =	stileid.u32  }
0xfa: {  	s1 =	rddreg [dreg:$0x1];
	p0 =	sne.s32 s2, $0x0  }
0xfb: {  	s3 =	rddreg [dreg:$0x2];
	[bflag:$0x3] =	sbarrier.arrive $0xFFFF;
	s2 =	simm.s32 @!p0 $0x1C0B  }
0xfc: {  	[timem:s3], [sflag:s2] =	dma.local @!p0 [hbm:s0], s1  }
0xfd: {  	s0 =	simm.s32 @!p0 $0xB  }
0xfe: {  	_ =	swait.ge @!p0 [sflag:s0], s1  }
0xff: {  	s1 =	ssub.s32 @!p0 $0x0, s1;
	[sflag:s0] =	ssyncset.done @!p0 $0x0  }
0x100: {  	[sflag:s0] =	ssyncadd.s32 @!p0 s1  }
0x101: {  	[bflag:$0x3] =	sbarrier.arrive $0xFFFF  }
0x102: {  	_ =	shalt  }

// kernel: kernel.7.cloned.1.call-start
scs
__scs_entry_jumppad:
0x0: {  	(pc) =	sbr.rel $0x88, $3  }
0x1: {  	(tag) =	ssettag $0x0;
	lr =	simm.s32 $0x1  }
0x2: {  	[smem:$0x3F9B] =	sst lr;
	_ =	strace $0xD0000000  }
0x3: {  	_ = 	snop  }
0x4: {  	_ = 	snop  }
0x5: {  	_ = 	snop  }
0x6: {  	_ = 	snop  }
0x7: {  	_ = 	snop  }
__scs_overlays_trampoline_lowered:
0x8: {  	[smem:$0x3FAA] =	sst s0  }
0x9: {  	[smem:$0x3FAB] =	sst s1  }
0xa: {  	[smem:$0x3FAC] =	sst s2  }
0xb: {  	[smem:$0x3FAD] =	sst s3  }
0xc: {  	[smem:$0x3FAE] =	sst s4  }
0xd: {  	[smem:$0x3FAF] =	sst s5  }
0xe: {  	[smem:$0x3FB0] =	sst s6  }
0xf: {  	[smem:$0x3FB1] =	sst s7  }
0x10: {  	[smem:$0x3FB2] =	sst s8  }
0x11: {  	[smem:$0x3FB3] =	sst s9;
	s0 =	simm.s32 @!p0 $0x0  }
0x12: {  	s1 =	sld [smem:$0x3F99];
	s0 =	simm.s32 @p0 $0x1  }
0x13: {  	[smem:$0x3FB4] =	sst s0;
	s0 =	simm.s32 @!p1 $0x0  }
0x14: {  	s2 =	sld [smem:$0x3F98];
	s0 =	simm.s32 @p1 $0x1  }
0x15: {  	[smem:$0x3FB5] =	sst s0;
	s0 =	simm.s32 @!p2 $0x0  }
0x16: {  	s3 =	sld [smem:$0x3FDB];
	s0 =	simm.s32 @p2 $0x1  }
0x17: {  	s4 =	simm.s32 $0x1BF5;
	[smem:$0x3FB7] =	sst s0  }
0x18: {  	s0 =	sld [smem:$0x3F9A];
	_ =	swait.ge [sflag:s4], $0x0  }
0x19: {  	s7 =	sld [smem:$0x3F9B]  }
0x1a: {  	s8 =	sadd.s32 $0xFFFFE003, lr  }
0x1b: {  	s9 =	sadd.s32 $0xFFFFFEF7, lr;
	s5 =	simm.s32 $0xFFFFFFFF;
	p2 =	slt.u32 s8, $0xFFFFF086  }
0x1c: {  	p1 =	slt.u32 s9, $0xF7A;
	s5 =	simm.s32 @!p2 $0x0  }
0x1d: {  	s5 =	simm.s32 @p1 $0x1;
	p0 =	seq.s32 s7, s2  }
0x1e: {  	s7 =	smul.u32 @!p0 $0xF7A, s2;
	p2 =	seq.s32 @!p0 s5, $0x0  }
0x1f: {  	s9 =	smul.u32 $0xF7A, s1;
	s8 =	simm.s32 @!p0 $0x1BF5;
	p2 =	por !p2, p0  }
0x20: {  	[sflag:s8] =	ssyncset.s32 @!p0 $0xFFFFF086;
	s6 =	sadd.s32 @!p0 s3, s7;
	s7 =	simm.s32 @!p0 $0x108  }
0x21: {  	s3 =	sadd.s32 s3, s9;
	s6 =	sadd.s32 @!p0 $0x88, s6;
	s7 =	simm.s32 @p2 $0x1082  }
0x22: {  	[simem:s7], [sflag:s8] =	dma.local @!p0 [hbm:s6], $0xF7A  }
0x23: {  	s9 =	sor.u32 $0xD0000000, s2;
	s6 =	simm.s32 $0x108;
	_ =	swait.ge @!p0 [sflag:s8], $0x0  }
0x24: {  	s3 =	sadd.s32 $0x88, s3;
	s6 =	simm.s32 @!p1 $0x1082;
	[sflag:s4] =	ssyncset.s32 $0xFFFFF086  }
0x25: {  	[simem:s6], [sflag:s4] =	dma.local [hbm:s3], $0xF7A  }
0x26: {  	[smem:$0x3F9B] =	sst s1;
	(tag) =	ssettag s2;
	_ =	strace s9  }
0x27: {  	s1 =	sld [smem:$0x3FAB]  }
0x28: {  	s2 =	sld [smem:$0x3FAC]  }
0x29: {  	s4 =	sld [smem:$0x3FAE]  }
0x2a: {  	p0 =	seq.s32 s5, $0x0;
	s5 =	sld [smem:$0x3FAF]  }
0x2b: {  	s6 =	sld [smem:$0x3FB0]  }
0x2c: {  	s7 =	sld [smem:$0x3FB1]  }
0x2d: {  	s3 =	simm.s32 $0x108;
	s8 =	sld [smem:$0x3FB2]  }
0x2e: {  	s3 =	simm.s32 @!p0 $0x1082;
	s9 =	sld [smem:$0x3FB3]  }
0x2f: {  	lr =	sadd.s32 s0, s3;
	s0 =	sld [smem:$0x3FAA]  }
0x30: {  	s3 =	sld [smem:$0x3FAD]  }
0x31: {  	[smem:$0x3FB6] =	sst s10  }
0x32: {  	s10 =	sld [smem:$0x3FB4];
	_ =	sdelay $0x3  }
0x33: {  	p0 =	seq.s32 s10, $0x1;
	s10 =	sld [smem:$0x3FB6];
	_ =	sdelay $0x3  }
0x34: {  	[smem:$0x3FB6] =	sst s10  }
0x35: {  	s10 =	sld [smem:$0x3FB5];
	_ =	sdelay $0x3  }
0x36: {  	p1 =	seq.s32 s10, $0x1;
	s10 =	sld [smem:$0x3FB6];
	_ =	sdelay $0x3  }
0x37: {  	[smem:$0x3FB6] =	sst s10  }
0x38: {  	s10 =	sld [smem:$0x3FB7]  }
0x39: {  	_ = 	snop;
	(pc) =	sbr.ind lr, $3  }
0x3a: {  	_ = 	snop  }
0x3b: {  	_ = 	snop  }
0x3c: {  	p2 =	seq.s32 s10, $0x1;
	s10 =	sld [smem:$0x3FB6]  }
0x3d: {  	_ =	shalt  }
0x3e: {  	_ =	shalt  }
0x3f: {  	_ =	shalt  }
0x40: {  	_ =	shalt  }
0x41: {  	_ =	shalt  }
0x42: {  	_ =	shalt  }
0x43: {  	_ =	shalt  }
0x44: {  	_ =	shalt  }
0x45: {  	_ =	shalt  }
0x46: {  	_ =	shalt  }
0x47: {  	_ =	shalt  }
0x48: {  	_ =	shalt  }
0x49: {  	_ =	shalt  }
0x4a: {  	_ =	shalt  }
0x4b: {  	_ =	shalt  }
0x4c: {  	_ =	shalt  }
0x4d: {  	_ =	shalt  }
0x4e: {  	_ =	shalt  }
0x4f: {  	_ =	shalt  }
0x50: {  	_ =	shalt  }
0x51: {  	_ =	shalt  }
0x52: {  	_ =	shalt  }
0x53: {  	_ =	shalt  }
0x54: {  	_ =	shalt  }
0x55: {  	_ =	shalt  }
0x56: {  	_ =	shalt  }
0x57: {  	_ =	shalt  }
0x58: {  	_ =	shalt  }
0x59: {  	_ =	shalt  }
0x5a: {  	_ =	shalt  }
0x5b: {  	_ =	shalt  }
0x5c: {  	_ =	shalt  }
0x5d: {  	_ =	shalt  }
0x5e: {  	_ =	shalt  }
0x5f: {  	_ =	shalt  }
0x60: {  	_ =	shalt  }
0x61: {  	_ =	shalt  }
0x62: {  	_ =	shalt  }
0x63: {  	_ =	shalt  }
0x64: {  	_ =	shalt  }
0x65: {  	_ =	shalt  }
0x66: {  	_ =	shalt  }
0x67: {  	_ =	shalt  }
0x68: {  	_ =	shalt  }
0x69: {  	_ =	shalt  }
0x6a: {  	_ =	shalt  }
0x6b: {  	_ =	shalt  }
0x6c: {  	_ =	shalt  }
0x6d: {  	_ =	shalt  }
0x6e: {  	_ =	shalt  }
0x6f: {  	_ =	shalt  }
0x70: {  	_ =	shalt  }
0x71: {  	_ =	shalt  }
0x72: {  	_ =	shalt  }
0x73: {  	_ =	shalt  }
0x74: {  	_ =	shalt  }
0x75: {  	_ =	shalt  }
0x76: {  	_ =	shalt  }
0x77: {  	_ =	shalt  }
0x78: {  	_ =	shalt  }
0x79: {  	_ =	shalt  }
0x7a: {  	_ =	shalt  }
0x7b: {  	_ =	shalt  }
0x7c: {  	_ =	shalt  }
0x7d: {  	_ =	shalt  }
0x7e: {  	_ =	shalt  }
0x7f: {  	_ =	shalt  }
0x80: {  	_ =	shalt  }
0x81: {  	_ =	shalt  }
0x82: {  	_ =	shalt  }
0x83: {  	_ =	shalt  }
0x84: {  	_ =	shalt  }
0x85: {  	_ =	shalt  }
0x86: {  	_ =	shalt  }
0x87: {  	_ =	shalt  }
.Lfunc_end0:
.L_simem_size_0:
called_computation_lowered:
.L_overlay_start_0:
0x88: {  	s2 =	sld [smem:$0x3FD9]  }
0x89: {  	s3 =	sld [smem:$0x3FFE];
	_ =	sdelay $0x1  }
0x8a: {  	s1 =	srdreg.scid  }
0x8b: {  	s0 =	sand.u32 $0x1, s1  }
0x8c: {  	s14 =	sshll.u32 s0, $0xA;
	s2 =	sadd.s32 s3, s2  }
0x8d: {  	s2 =	sadd.s32 s2, s14  }
0x8e: {  	[smem:$0x3FC2] =	sst s2  }
0x8f: {  	_ = 	snop  }
0x90: {  	s2 =	sld [smem:$0x3FD0];
	_ =	sdelay $0x2  }
0x91: {  	s15 =	simm.s32 $0xA;
	s4 =	simm.s32 $0x10  }
0x92: {  	[smem:s4], [sflag:s15] =	dma.local [hbm:s2], $0x1  }
0x93: {  	_ =	swait.eq [sflag:s15], $0x1  }
0x94: {  	[sflag:s15] =	ssyncset.done $0x0  }
0x95: {  	s16 =	sld [smem:$0x10];
	[sflag:s15] =	ssyncadd.s32 $0xFFFFFFFF  }
0x96: {  	s17 =	sld [smem:$0x11];
	(tm) =	ssettm $0x1  }
0x97: {  	s18 =	sld [smem:$0x3FFB];
	_ =	sdelay $0x3  }
0x98: {  	_ =	strace s18  }
0x99: {  	s4 =	sld [smem:$0x3FFC];
	_ =	sdelay $0x3  }
0x9a: {  	_ =	strace s4  }
0x9b: {  	s4 =	sld [smem:$0x3FFD];
	_ =	sdelay $0x3  }
0x9c: {  	_ =	strace s4  }
0x9d: {  	_ =	strace $0x8FFFFFFF  }
0x9e: {  	s19 =	sld [smem:$0x3FDB];
	_ =	sdelay $0x1  }
0x9f: {  	s5 =	simm.s32 $_scs_section_size  }
0xa0: {  	s6 =	simm.s32 $_size__tile_overlayer_lowered;
	s7 =	simm.s32 $_tile_overlayer_lowered  }
0xa1: {  	s22 =	simm.s32 $0x1BFF;
	s21 =	sshll.u32 s7, $0x1;
	s4 =	sadd.s32 s5, s19  }
0xa2: {  	s8 =	simm.s32 $0x0;
	s20 =	sshll.u32 s6, $0x1;
	s6 =	sadd.s32 s21, s4  }
0xa3: {  	[timem:s8], [sflag:s22] =	dma.local [hbm:s6], s20  }
0xa4: {  	_ =	swait.ge [sflag:s22], s20  }
0xa5: {  	s5 =	ssub.s32 $0x0, s20;
	[sflag:s22] =	ssyncset.done $0x0  }
0xa6: {  	[sflag:s22] =	ssyncadd.s32 s5;
	_ =	sdelay $0x1  }
0xa7: {  	s23 =	simm.s32 $0x1B8B  }
0xa8: {  	_ =	swait.ge [sflag:s23], $0x1  }
0xa9: {  	[sflag:s23] =	ssyncset.done $0x0  }
0xaa: {  	s25 =	simm.s32 $0x1B8E;
	s24 =	sld [smem:$0x3FFE];
	[sflag:s23] =	ssyncadd.s32 $0xFFFFFFFF  }
0xab: {  	s26 =	simm.s32 $execute0_lowered;
	[smem:$0x3FD2] =	sst s25  }
0xac: {  	s6 =	sshll.u32 s26, $0x1;
	_ =	strace $0x80000046;
	[dreg:$0x1] =	wrdreg $0xFFFFFFFF  }
0xad: {  	s28 =	simm.s32 $_size_execute0_lowered;
	s4 =	sadd.s32 s4, s6;
	[dreg:$0x0] =	wrdreg $0x0  }
0xae: {  	s6 =	sshll.u32 s28, $0x1;
	[dreg:$0x2] =	wrdreg s4  }
0xaf: {  	[dreg:$0x3] =	wrdreg s6  }
0xb0: {  	[dreg:$0x4] =	wrdreg $0xC0  }
0xb1: {  	_ =	task [dreg:s8], $0x5FFFF  }
0xb2: {  	[dreg:$0x1] =	wrdreg $0xFFFFFFFF  }
0xb3: {  	[dreg:$0x0] =	wrdreg $0x60  }
0xb4: {  	[dreg:$0x2] =	wrdreg s24  }
0xb5: {  	[dreg:$0x3] =	wrdreg s17  }
0xb6: {  	[dreg:$0x4] =	wrdreg s16  }
0xb7: {  	[dreg:$0x5] =	wrdreg $0x9F800  }
0xb8: {  	[dreg:$0x6] =	wrdreg $0x9  }
0xb9: {  	_ =	task.clear_ibuf [dreg:s8], $0x7FFFF;
	_ =	strace $0x90000046  }
0xba: {  	s29 =	simm.s32 $0x9;
	_ =	strace $0x80000048  }
0xbb: {  	_ =	swait.ge [sflag:s29], $0x1  }
0xbc: {  	[sflag:s29] =	ssyncadd.s32 $0xFFFFFFFF  }
0xbd: {  	_ =	strace $0x90000048  }
0xbe: {  	_ =	sfence  }
0xbf: {  	s30 =	sld [smem:$0x0];
	_ =	sdelay $0x2  }
0xc0: {  	s31 =	sshll.u32 s1, $0xD;
	s1 =	sshrl.u32 s1, $0x2  }
0xc1: {  	s3 =	sand.u32 $0x4000, s31;
	s1 =	sadd.s32 s1, s30  }
0xc2: {  	s0 =	sor.u32 s3, s0;
	s1 =	sshll.u32 s1, $0x11  }
0xc3: {  	s0 =	sor.u32 s1, s0  }
0xc4: {  	s0 =	sadd.s32 $0x8F2B, s0  }
0xc5: {  	[sflag:s0] =	ssyncadd.remote.s32 $0x1  }
0xc6: {  	_ =	sfence.sel $0xFFFF  }
0xc7: {  	[dreg:$0x0] =	wrdreg $0xFFFFFFFF;
	(pc) =	sbr.abs _section_cstart, $3  }
0xc8: {  	[dreg:$0x1] =	wrdreg $0xFFFFFFFF  }
0xc9: {  	_ =	task.clear_ibuf [dreg:s8], $0x2FFFF;
	_ =	strace $0x9FFFFFFF  }
0xca: {  	(tm) =	ssettm $0x7FFFFFFF  }
0xcb: {  	_ =	shalt  }
tec
execute0_lowered:
.L_overlay_start_1:
0x0: {  	(tag) =	ssettag $0x1  }
0x1: {  	s4 =	rddreg [dreg:$0x0];
	s0 =	stileid.u32  }
0x2: {  	s5 =	rddreg [dreg:$0x1];
	s7 =	smul.u32 $0x4E20, s0  }
0x3: {  	s6 =	rddreg [dreg:$0x2]  }
0x4: {  	s2 =	rddreg [dreg:$0x3];
	s3 =	simm.s32 $0x0;
	s7 =	sshrl.u32 s7, $0x3  }
0x5: {  	[smem:$0x7FF] =	sst s3;
	s4 =	sadd.s32 s4, s7  }
0x6: {  	s1 =	rddreg [dreg:$0x4];
	_ =	strace $0x80000047;
	s8 =	sadd.s32 $0xBA40, s4  }
0x7: {  	[tilespmem:s3], [sflag:$0x1] =	stream.linear.gather [hbm4b:s8+s3], $0x4E20, $0x38;
	[tilespmem:$0xA200] =	vst v63  }
0x8: {  	s4 =	simm.s32 $0x4E80  }
0x9: {  	v0 =	vimm.f32 $0.0e+00;
	[tilespmem:s4], [sflag:$0x2] =	stream.linear.gather [hbm4b:s5+s3], $0x4E80, $0x38;
	[tilespmem:$0xA200] =	vst v63  }
0xa: {  	[tilespmem:$0x9F70] =	vst v0  }
0xb: {  	[tilespmem:$0x9F60] =	vst v0  }
0xc: {  	[tilespmem:$0x9F50] =	vst v0  }
0xd: {  	[tilespmem:$0x9F40] =	vst v0  }
0xe: {  	[tilespmem:$0x9F30] =	vst v0  }
0xf: {  	[tilespmem:$0x9F20] =	vst v0  }
0x10: {  	[tilespmem:$0x9F10] =	vst v0  }
0x11: {  	s30 =	srdreg.scid;
	[tilespmem:$0x9F00] =	vst v0  }
0x12: {  	s7 =	sand.u32 $0x1, s30;
	[tilespmem:$0x9EF0] =	vst v0  }
0x13: {  	s10 =	ssub.s32 $0x2, s7;
	[tilespmem:$0x9EE0] =	vst v0  }
0x14: {  	s11 =	sshrl.u32 s10, $0x1;
	[tilespmem:$0x9ED0] =	vst v0  }
0x15: {  	s11 =	ssub.s32 s10, s11;
	[tilespmem:$0x9EC0] =	vst v0  }
0x16: {  	s31 =	smax.u32 s11, $0x1;
	[tilespmem:$0x9EB0] =	vst v0  }
0x17: {  	[tilespmem:$0x9EA0] =	vst v0;
	s16 =	sadd.s32 $0xFFFFFFFF, s31  }
0x18: {  	s9 =	smul.u32 $0x280, s0;
	[tilespmem:$0x9E90] =	vst v0;
	p1 =	sne.s32 s16, $0x0  }
.Ltmp0:
0x19: {  	[tilespmem:$0x9E80] =	vst v0;
	(pc) =	sbr.rel @!p1 .LBB2_2-.Ltmp0, $4  }
0x1a: {  	s15 =	simm.s32 $0x9D00;
	s13 =	simm.s32 $0x2;
	s12 =	sshrl.u32 s9, $0x3;
	[tilespmem:$0x9E70] =	vst v0  }
0x1b: {  	s14 =	simm.s32 $0x4E20;
	s6 =	sadd.s32 s6, s12;
	p0 =	sne.s32 s7, $0x0;
	[tilespmem:$0x9E60] =	vst v0  }
0x1c: {  	s12 =	simm.s32 $0x1;
	s10 =	sadd.s32 s9, s2;
	s9 =	sshll.u32 @!p0 s0, $0x6;
	[tilespmem:$0x9E50] =	vst v0  }
0x1d: {  	s7 =	simm.s32 $0x3;
	s9 =	sor.u32 @!p0 $0x1C03, s9;
	s11 =	sshrl.u32 @!p0 s10, $0x3;
	[tilespmem:$0x9E40] =	vst v0  }
.LBB2_1:
0x1e: {  	s16 =	sadd.s32 $0xFFFFFFFF, s16;
	[tilespmem:$0x9E30] =	vst v0  }
0x1f: {  	p1 =	sne.s32 s16, $0x0;
	[tilespmem:$0x9E20] =	vst v0  }
0x20: {  	[tilespmem:$0x9E10] =	vst v0  }
0x21: {  	[tilespmem:$0x9E00] =	vst v0  }
0x22: {  	[tilespmem:$0x9DF0] =	vst v0  }
0x23: {  	[tilespmem:$0x9DE0] =	vst v0  }
0x24: {  	[tilespmem:$0x9DD0] =	vst v0  }
0x25: {  	[tilespmem:$0x9DC0] =	vst v0  }
0x26: {  	[tilespmem:$0x9DB0] =	vst v0  }
0x27: {  	[tilespmem:$0x9DA0] =	vst v0  }
0x28: {  	[tilespmem:$0x9D90] =	vst v0  }
0x29: {  	[tilespmem:$0x9D80] =	vst v0  }
0x2a: {  	[tilespmem:$0x9D70] =	vst v0  }
0x2b: {  	[tilespmem:$0x9D60] =	vst v0  }
0x2c: {  	[tilespmem:$0x9D50] =	vst v0  }
0x2d: {  	[tilespmem:$0x9D40] =	vst v0  }
0x2e: {  	[tilespmem:$0x9D30] =	vst v0  }
0x2f: {  	[tilespmem:$0x9D20] =	vst v0  }
0x30: {  	[tilespmem:$0x9D00] =	vst v0  }
0x31: {  	[tilespmem:$0x9D10] =	vst v0  }
0x32: {  	[spmem:s10] =	stream.linear.scatter [tilespmem:s15], [sflag:$0x3], $0x280, $0x38;
	[tilespmem:$0xA200] =	vst v63  }
0x33: {  	_ =	swait.ge [sflag:s7], $0x280  }
0x34: {  	[sflag:s7] =	ssyncset.done $0x0  }
0x35: {  	[sflag:s7] =	ssyncadd.s32 $0xFFFFFD80  }
0x36: {  	_ =	swait.ge [sflag:s12], $0x4E20  }
0x37: {  	[sflag:s12] =	ssyncset.done $0x0  }
0x38: {  	[sflag:s12] =	ssyncadd.s32 $0xFFFFB1E0  }
0x39: {  	_ =	swait.ge [sflag:s13], $0x4E80  }
0x3a: {  	[sflag:s13] =	ssyncset.done $0x0  }
0x3b: {  	[sflag:s13] =	ssyncadd.s32 $0xFFFFB180  }
0x3c: {  	[bflag:$0x0] =	sbarrier.arrive $0xFFFF  }
0x3d: {  	[spmem:s2] =	stream.indirect.scatter.add.f32 [tilespmem:s4], [sflag:$0x3], $0x1, s3, s14, $0xb8;
	[tilespmem:$0xA200] =	vst v63  }
0x3e: {  	_ =	swait.ge [sflag:s7], $0x4E20  }
0x3f: {  	[sflag:s7] =	ssyncset.done $0x0  }
0x40: {  	[sflag:s7] =	ssyncadd.s32 $0xFFFFB1E0  }
0x41: {  	s17 =	simm.s32 @!p0 $0x3;
	[bflag:$0x0] =	sbarrier.arrive $0xFFFF  }
0x42: {  	[hbm:s6], [sflag:s9] =	dma.local @!p0 [spmem:s11], $0x50  }
0x43: {  	_ =	swait.ge @!p0 [sflag:s17], $0x50  }
0x44: {  	[sflag:s17] =	ssyncset.done @!p0 $0x0  }
0x45: {  	[sflag:s17] =	ssyncadd.s32 @!p0 $0xFFFFFFB0  }
0x46: {  	[tilespmem:s3], [sflag:$0x1] =	stream.linear.gather [hbm4b:s8+s3], $0x4E20, $0x38;
	[tilespmem:$0xA200] =	vst v63  }
0x47: {  	_ = 	snop  }
0x48: {  	[tilespmem:s4], [sflag:$0x2] =	stream.linear.gather [hbm4b:s5+s3], $0x4E80, $0x38;
	[tilespmem:$0xA200] =	vst v63  }
0x49: {  	[tilespmem:$0x9F70] =	vst v0  }
0x4a: {  	[tilespmem:$0x9F60] =	vst v0  }
0x4b: {  	[tilespmem:$0x9F50] =	vst v0  }
0x4c: {  	[tilespmem:$0x9F40] =	vst v0  }
0x4d: {  	[tilespmem:$0x9F30] =	vst v0  }
0x4e: {  	[tilespmem:$0x9F20] =	vst v0  }
0x4f: {  	[tilespmem:$0x9F10] =	vst v0  }
0x50: {  	[tilespmem:$0x9F00] =	vst v0  }
0x51: {  	[tilespmem:$0x9EF0] =	vst v0  }
0x52: {  	[tilespmem:$0x9EE0] =	vst v0  }
0x53: {  	[tilespmem:$0x9ED0] =	vst v0  }
0x54: {  	[tilespmem:$0x9EC0] =	vst v0  }
0x55: {  	[tilespmem:$0x9EB0] =	vst v0  }
0x56: {  	[tilespmem:$0x9EA0] =	vst v0  }
0x57: {  	[tilespmem:$0x9E90] =	vst v0  }
.Ltmp1:
0x58: {  	[tilespmem:$0x9E80] =	vst v0;
	(pc) =	sbr.rel @p1 .LBB2_1-.Ltmp1, $4  }
0x59: {  	[tilespmem:$0x9E70] =	vst v0  }
0x5a: {  	[tilespmem:$0x9E60] =	vst v0  }
0x5b: {  	[tilespmem:$0x9E50] =	vst v0  }
0x5c: {  	[tilespmem:$0x9E40] =	vst v0  }
.LBB2_2:
0x5d: {  	[tilespmem:$0x9E30] =	vst v0  }
0x5e: {  	[tilespmem:$0x9E20] =	vst v0  }
0x5f: {  	[tilespmem:$0x9E10] =	vst v0  }
0x60: {  	[tilespmem:$0x9E00] =	vst v0  }
0x61: {  	[tilespmem:$0x9DF0] =	vst v0  }
0x62: {  	[tilespmem:$0x9DE0] =	vst v0  }
0x63: {  	[tilespmem:$0x9DD0] =	vst v0  }
0x64: {  	[tilespmem:$0x9DC0] =	vst v0  }
0x65: {  	[tilespmem:$0x9DB0] =	vst v0  }
0x66: {  	[tilespmem:$0x9DA0] =	vst v0  }
0x67: {  	[tilespmem:$0x9D90] =	vst v0  }
0x68: {  	[tilespmem:$0x9D80] =	vst v0  }
0x69: {  	[tilespmem:$0x9D70] =	vst v0  }
0x6a: {  	[tilespmem:$0x9D60] =	vst v0  }
0x6b: {  	[tilespmem:$0x9D50] =	vst v0  }
0x6c: {  	[tilespmem:$0x9D40] =	vst v0  }
0x6d: {  	[tilespmem:$0x9D30] =	vst v0  }
0x6e: {  	[tilespmem:$0x9D20] =	vst v0  }
0x6f: {  	[tilespmem:$0x9D00] =	vst v0  }
0x70: {  	[tilespmem:$0x9D10] =	vst v0  }
0x71: {  	[spmem:s10] =	stream.linear.scatter [tilespmem:s15], [sflag:$0x3], $0x280, $0x38;
	[tilespmem:$0xA200] =	vst v63  }
0x72: {  	_ =	swait.ge [sflag:s7], $0x280  }
0x73: {  	[sflag:s7] =	ssyncset.done $0x0  }
0x74: {  	[sflag:s7] =	ssyncadd.s32 $0xFFFFFD80  }
0x75: {  	_ =	swait.ge [sflag:s12], $0x4E20  }
0x76: {  	[sflag:s12] =	ssyncset.done $0x0  }
0x77: {  	[sflag:s12] =	ssyncadd.s32 $0xFFFFB1E0  }
0x78: {  	_ =	swait.ge [sflag:s13], $0x4E80  }
0x79: {  	[sflag:s13] =	ssyncset.done $0x0  }
0x7a: {  	[sflag:s13] =	ssyncadd.s32 $0xFFFFB180  }
0x7b: {  	[bflag:$0x0] =	sbarrier.arrive $0xFFFF  }
0x7c: {  	[spmem:s2] =	stream.indirect.scatter.add.f32 [tilespmem:s4], [sflag:$0x3], $0x1, s3, s14, $0xb8;
	[tilespmem:$0xA200] =	vst v63  }
0x7d: {  	_ =	swait.ge [sflag:s7], $0x4E20  }
0x7e: {  	[sflag:s7] =	ssyncset.done $0x0  }
0x7f: {  	[sflag:s7] =	ssyncadd.s32 $0xFFFFB1E0  }
0x80: {  	s2 =	simm.s32 @!p0 $0x3;
	[bflag:$0x0] =	sbarrier.arrive $0xFFFF  }
0x81: {  	[hbm:s6], [sflag:s9] =	dma.local @!p0 [spmem:s11], $0x50  }
0x82: {  	_ =	swait.ge @!p0 [sflag:s2], $0x50  }
0x83: {  	[sflag:s2] =	ssyncset.done @!p0 $0x0  }
0x84: {  	[sflag:s2] =	ssyncadd.s32 @!p0 $0xFFFFFFB0  }
0x85: {  	_ =	sfence.sel $0x180000  }
0x86: {  	[bflag:$0x0] =	sbarrier.arrive $0xFFFF  }
0x87: {  	p0 =	sne.s32 s0, $0x0;
	_ =	strace $0x90000047  }
0x88: {  	s0 =	sadd.s32 @!p0 $0x100000, s1;
	[bflag:$0x2] =	sbarrier.arrive $0xFFFF  }
0x89: {  	[sflag:s0] =	ssyncadd.tile.s32 @!p0 $0x1;
	_ =	shalt  }
.Lfunc_end2:
_tile_overlayer_lowered:
.L_overlay_start_2:
0x8a: {  	(tag) =	ssettag $0x2  }
0x8b: {  	s0 =	rddreg [dreg:$0x0];
	s2 =	stileid.u32  }
0x8c: {  	s1 =	rddreg [dreg:$0x1];
	p0 =	sne.s32 s2, $0x0  }
0x8d: {  	s3 =	rddreg [dreg:$0x2];
	[bflag:$0x3] =	sbarrier.arrive $0xFFFF;
	s2 =	simm.s32 @!p0 $0x1C03  }
0x8e: {  	[timem:s3], [sflag:s2] =	dma.local @!p0 [hbm:s0], s1  }
0x8f: {  	s0 =	simm.s32 @!p0 $0x3  }
0x90: {  	_ =	swait.ge @!p0 [sflag:s0], s1  }
0x91: {  	s1 =	ssub.s32 @!p0 $0x0, s1;
	[sflag:s0] =	ssyncset.done @!p0 $0x0  }
0x92: {  	[sflag:s0] =	ssyncadd.s32 @!p0 s1  }
0x93: {  	[bflag:$0x3] =	sbarrier.arrive $0xFFFF  }
0x94: {  	_ =	shalt  }

</sc_bundles>
